<compile_context>
chip_gen: v7x
topology: tpu7x:2x2x1
jax: 0.10.2.dev20260603
libtpu: 0.0.44.dev20260713+nightly
codegen_flags: <defaults>
</compile_context>

<pallas_src>
import functools

import jax
import jax.numpy as jnp
from jax import lax
from jax.experimental import pallas as pl
from jax.experimental.pallas import tpu as pltpu
from jax.experimental.pallas import tpu_sc as plsc

NC = 2
NS = 16
NW = NC * NS
REP = 8
NBUF = 4
CK = 16


def _emb_kernel_body(n, tok_len, ctx_len, d,
                     idx_hbm, table_hbm, ctx8_hbm, out_hbm,
                     idx_v, gbufs, ctx8_v, gsems, wsems, csem):
    rpw = n // NW
    nck = rpw // CK
    nq = tok_len * nck
    ncw = ctx_len * (rpw // REP)
    nm = nq // NBUF
    cw_per = -(-ncw // nm)

    wid = lax.axis_index("s") * NC + lax.axis_index("c")
    c0 = wid * rpw

    for g in range(tok_len):
        pltpu.async_copy(idx_hbm.at[pl.ds(g * n + c0, rpw)],
                         idx_v.at[pl.ds(g * rpw, rpw)], csem)
    for g in range(tok_len):
        pltpu.make_async_copy(idx_hbm.at[pl.ds(g * n + c0, rpw)],
                              idx_v.at[pl.ds(g * rpw, rpw)], csem).wait()
    pltpu.sync_copy(ctx8_hbm, ctx8_v)

    def g_src(q):
        g = q // nck
        i = q % nck
        return table_hbm.at[idx_v.at[pl.ds(g * rpw + i * CK, CK)]]

    def w_dst(q):
        g = q // nck
        i = q % nck
        t = jnp.where(g == 0, 0, g + ctx_len)
        return out_hbm.at[t, pl.ds(c0 + i * CK, CK), :]

    def ctx_src(j):
        return ctx8_v.at[pl.ds((j // (rpw // REP)) * REP, REP)]

    def ctx_dst(j):
        k = j // (rpw // REP)
        i = j % (rpw // REP)
        return out_hbm.at[k + 1, pl.ds(c0 + i * REP, REP), :]

    for b in range(NBUF):
        pltpu.async_copy(g_src(b), gbufs[b], gsems[b])

    def outer(m, carry):
        q0 = m * NBUF
        for b in range(NBUF):
            q = q0 + b
            pltpu.make_async_copy(g_src(q), gbufs[b], gsems[b]).wait()
            pltpu.async_copy(gbufs[b], w_dst(q), wsems[b])
        for s in range(cw_per):
            j = m * cw_per + s

            @pl.when(j < ncw)
            def _():
                pltpu.async_copy(ctx_src(j), ctx_dst(j), csem)
        for b in range(NBUF):
            q = q0 + b
            qn = q + NBUF

            @pl.when(qn < nq)
            def _():
                pltpu.make_async_copy(gbufs[b], w_dst(q), wsems[b]).wait()
                pltpu.async_copy(g_src(qn), gbufs[b], gsems[b])
        return carry

    lax.fori_loop(0, nm, outer, 0)

    for b in range(NBUF):
        q = nq - NBUF + b
        pltpu.make_async_copy(gbufs[b], w_dst(q), wsems[b]).wait()

    def ctx_drain(j, carry):
        pltpu.make_async_copy(ctx_src(j), ctx_dst(j), csem).wait()
        return carry

    lax.fori_loop(0, ncw, ctx_drain, 0)


def _mask_body(m_ref, o_ref, *, ctx_len):
    n = m_ref.shape[0]
    ones = jnp.ones((n, ctx_len), dtype=m_ref.dtype)
    o_ref[...] = jnp.concatenate([ones, m_ref[...]], axis=1)


def kernel(class_token_ids, class_attention_mask, embedding_table, context_vectors_text):
    n, tok_len = class_token_ids.shape
    ctx_len, d = context_vectors_text.shape
    seq = 1 + ctx_len + (tok_len - 1)
    rpw = n // NW

    ids_t = class_token_ids.T.reshape(-1)
    ctx8 = jnp.repeat(context_vectors_text, REP, axis=0)

    mesh = plsc.VectorSubcoreMesh(core_axis_name="c", subcore_axis_name="s")
    emb_t = pl.kernel(
        functools.partial(_emb_kernel_body, n, tok_len, ctx_len, d),
        out_type=jax.ShapeDtypeStruct((seq, n, d), jnp.float32),
        mesh=mesh,
        scratch_types=[
            pltpu.VMEM((tok_len * rpw,), jnp.int32),
            [pltpu.VMEM((CK, d), jnp.float32) for _ in range(NBUF)],
            pltpu.VMEM((REP * ctx_len, d), jnp.float32),
            [pltpu.SemaphoreType.DMA for _ in range(NBUF)],
            [pltpu.SemaphoreType.DMA for _ in range(NBUF)],
            pltpu.SemaphoreType.DMA,
        ],
        compiler_params=pltpu.CompilerParams(use_tc_tiling_on_sc=True),
    )(ids_t, embedding_table, ctx8)

    mask = pl.pallas_call(
        functools.partial(_mask_body, ctx_len=ctx_len),
        out_shape=jax.ShapeDtypeStruct((n, ctx_len + tok_len), class_attention_mask.dtype),
    )(class_attention_mask)

    return emb_t.transpose(1, 0, 2), mask

# --- scband reference (transcript-rebuilt; emitter-appended) ---
"""Pipeline reference for scband-text-context-learner-17016660427392 (READ-ONLY COPY).

The authoritative reference and input builder live on the scoring server;
editing this copy changes nothing except your own understanding.
"""

import jax, jax.numpy as jnp
import numpy as np

NUM_CLASSES = 4096
TOK_LEN = 20
VOCAB = 49408
EMBED_DIM = 512
CTX_LEN = 16
STD_INIT = 0.02


def setup_inputs(seed: int = 0) -> dict:
    key = jax.random.key(seed)
    k1, k2, k3 = jax.random.split(key, 3)
    class_token_ids = jax.random.randint(k1, (NUM_CLASSES, TOK_LEN), 0, VOCAB, dtype=jnp.int32)
    class_attention_mask = jnp.ones((NUM_CLASSES, TOK_LEN), dtype=jnp.int32)
    # Learned parameters: CLIP text token embedding table and learnable context vectors
    embedding_table = jax.random.normal(k2, (VOCAB, EMBED_DIM), dtype=jnp.float32) * 0.02
    context_vectors_text = jax.random.normal(k3, (CTX_LEN, EMBED_DIM), dtype=jnp.float32) * STD_INIT
    return {
        "class_token_ids": class_token_ids,
        "class_attention_mask": class_attention_mask,
        "embedding_table": embedding_table,
        "context_vectors_text": context_vectors_text,
    }


def reference(class_token_ids, class_attention_mask, embedding_table, context_vectors_text):
    # Faithful translation of TextContextLearner.get_text_context_embeds:
    # 1) embedding lookup of tokenized class names
    class_embeddings = jnp.take(embedding_table, class_token_ids, axis=0)  # (N, L, D)
    n = class_token_ids.shape[0]
    # 2) expand shared learnable context to all classes
    context_vectors_expanded = jnp.broadcast_to(
        context_vectors_text[None, :, :], (n, CTX_LEN, EMBED_DIM)
    )
    # 3) splice context after BOS token: [BOS, ctx..., class tokens...]
    combined_embeddings = jnp.concatenate(
        [class_embeddings[:, :1], context_vectors_expanded, class_embeddings[:, 1:]], axis=1
    )
    # 4) extend attention mask with ones for the context positions
    combined_attention_mask = jnp.concatenate(
        [jnp.ones((n, CTX_LEN), dtype=class_attention_mask.dtype), class_attention_mask], axis=1
    )
    return combined_embeddings, combined_attention_mask

if __name__ == "__main__":
    import jax
    _d = setup_inputs()
    print(jax.jit(kernel)(*tuple(_d.values())))

</pallas_src>

<mosaic_0001>
#map = affine_map<(d0, d1) -> (0)>
#map1 = affine_map<(d0, d1) -> (0, 0)>
#map2 = affine_map<(d0, d1) -> (0, 0, 0)>
module attributes {stable_mosaic.version = 14 : i64} {
  func.func @_emb_kernel_body(%arg0: i32, %arg1: i32, %arg2: memref<81920xi32, #tpu.memory_space<hbm>>, %arg3: memref<49408x512xf32, #tpu.memory_space<hbm>>, %arg4: memref<128x512xf32, #tpu.memory_space<hbm>>, %arg5: memref<36x4096x512xf32, #tpu.memory_space<hbm>>, %arg6: memref<2560xi32, #tpu.memory_space<vmem>>, %arg7: memref<16x512xf32, #tpu.memory_space<vmem>>, %arg8: memref<16x512xf32, #tpu.memory_space<vmem>>, %arg9: memref<16x512xf32, #tpu.memory_space<vmem>>, %arg10: memref<16x512xf32, #tpu.memory_space<vmem>>, %arg11: memref<128x512xf32, #tpu.memory_space<vmem>>, %arg12: memref<!tpu.dma_semaphore, #tpu.memory_space<semaphore_mem>>, %arg13: memref<!tpu.dma_semaphore, #tpu.memory_space<semaphore_mem>>, %arg14: memref<!tpu.dma_semaphore, #tpu.memory_space<semaphore_mem>>, %arg15: memref<!tpu.dma_semaphore, #tpu.memory_space<semaphore_mem>>, %arg16: memref<!tpu.dma_semaphore, #tpu.memory_space<semaphore_mem>>, %arg17: memref<!tpu.dma_semaphore, #tpu.memory_space<semaphore_mem>>, %arg18: memref<!tpu.dma_semaphore, #tpu.memory_space<semaphore_mem>>, %arg19: memref<!tpu.dma_semaphore, #tpu.memory_space<semaphore_mem>>, %arg20: memref<!tpu.dma_semaphore, #tpu.memory_space<semaphore_mem>>) attributes {dimension_semantics = [#tpu.dimension_semantics<core_parallel>, #tpu.dimension_semantics<subcore_parallel>], iteration_bounds = array<i64: 2, 16>, scalar_prefetch = 0 : i64, scratch_operands = 15 : i64, tpu.core_type = #tpu.core_type<sc_vector_subcore>, window_params = [{transform_indices = #map}, {transform_indices = #map1}, {transform_indices = #map1}, {transform_indices = #map2}]} {
    %mul3A = arith.constant 2 : i32
    %mul3A_0 = arith.muli %arg1, %mul3A : i32
    %add3A = arith.addi %mul3A_0, %arg0 : i32
    %mul3A_1 = arith.constant 128 : i32
    %mul3A_2 = arith.muli %add3A, %mul3A_1 : i32
    %add3A_3 = arith.constant 0 : i32
    %add3A_4 = arith.addi %add3A_3, %mul3A_2 : i32
    %dma_start3A = arith.constant 0 : i32
    %dma_start3A_5 = tpu.memref_slice %arg6[%dma_start3A] : memref<2560xi32, #tpu.memory_space<vmem>> -> memref<128xi32, #tpu.memory_space<vmem>>
    %dma_start3A_6 = tpu.memref_slice %arg2[%add3A_4] : memref<81920xi32, #tpu.memory_space<hbm>> -> memref<128xi32, #tpu.memory_space<hbm>>
    %dma_start3A_7 = arith.constant 0 : i32
    %dma_start3A_8 = tpu.memref_slice %arg6[%dma_start3A_7] : memref<2560xi32, #tpu.memory_space<vmem>> -> memref<128xi32, #tpu.memory_space<vmem>>
    %dma_start3A_9 = tpu.memref_slice %arg2[%add3A_4] : memref<81920xi32, #tpu.memory_space<hbm>> -> memref<128xi32, #tpu.memory_space<hbm>>
    tpu.enqueue_dma source(%dma_start3A_9 : memref<128xi32, #tpu.memory_space<hbm>>) target(%dma_start3A_8 : memref<128xi32, #tpu.memory_space<vmem>>) target_semaphore(%arg20 : memref<!tpu.dma_semaphore, #tpu.memory_space<semaphore_mem>>)
    %add3A_10 = arith.constant 4096 : i32
    %add3A_11 = arith.addi %add3A_10, %mul3A_2 : i32
    %dma_start3A_12 = arith.constant 128 : i32
    %dma_start3A_13 = tpu.memref_slice %arg6[%dma_start3A_12] : memref<2560xi32, #tpu.memory_space<vmem>> -> memref<128xi32, #tpu.memory_space<vmem>>
    %dma_start3A_14 = tpu.memref_slice %arg2[%add3A_11] : memref<81920xi32, #tpu.memory_space<hbm>> -> memref<128xi32, #tpu.memory_space<hbm>>
    %dma_start3A_15 = arith.constant 128 : i32
    %dma_start3A_16 = tpu.memref_slice %arg6[%dma_start3A_15] : memref<2560xi32, #tpu.memory_space<vmem>> -> memref<128xi32, #tpu.memory_space<vmem>>
    %dma_start3A_17 = tpu.memref_slice %arg2[%add3A_11] : memref<81920xi32, #tpu.memory_space<hbm>> -> memref<128xi32, #tpu.memory_space<hbm>>
    tpu.enqueue_dma source(%dma_start3A_17 : memref<128xi32, #tpu.memory_space<hbm>>) target(%dma_start3A_16 : memref<128xi32, #tpu.memory_space<vmem>>) target_semaphore(%arg20 : memref<!tpu.dma_semaphore, #tpu.memory_space<semaphore_mem>>)
    %add3A_18 = arith.constant 8192 : i32
    %add3A_19 = arith.addi %add3A_18, %mul3A_2 : i32
    %dma_start3A_20 = arith.constant 256 : i32
    %dma_start3A_21 = tpu.memref_slice %arg6[%dma_start3A_20] : memref<2560xi32, #tpu.memory_space<vmem>> -> memref<128xi32, #tpu.memory_space<vmem>>
    %dma_start3A_22 = tpu.memref_slice %arg2[%add3A_19] : memref<81920xi32, #tpu.memory_space<hbm>> -> memref<128xi32, #tpu.memory_space<hbm>>
    %dma_start3A_23 = arith.constant 256 : i32
    %dma_start3A_24 = tpu.memref_slice %arg6[%dma_start3A_23] : memref<2560xi32, #tpu.memory_space<vmem>> -> memref<128xi32, #tpu.memory_space<vmem>>
    %dma_start3A_25 = tpu.memref_slice %arg2[%add3A_19] : memref<81920xi32, #tpu.memory_space<hbm>> -> memref<128xi32, #tpu.memory_space<hbm>>
    tpu.enqueue_dma source(%dma_start3A_25 : memref<128xi32, #tpu.memory_space<hbm>>) target(%dma_start3A_24 : memref<128xi32, #tpu.memory_space<vmem>>) target_semaphore(%arg20 : memref<!tpu.dma_semaphore, #tpu.memory_space<semaphore_mem>>)
    %add3A_26 = arith.constant 12288 : i32
    %add3A_27 = arith.addi %add3A_26, %mul3A_2 : i32
    %dma_start3A_28 = arith.constant 384 : i32
    %dma_start3A_29 = tpu.memref_slice %arg6[%dma_start3A_28] : memref<2560xi32, #tpu.memory_space<vmem>> -> memref<128xi32, #tpu.memory_space<vmem>>
    %dma_start3A_30 = tpu.memref_slice %arg2[%add3A_27] : memref<81920xi32, #tpu.memory_space<hbm>> -> memref<128xi32, #tpu.memory_space<hbm>>
    %dma_start3A_31 = arith.constant 384 : i32
    %dma_start3A_32 = tpu.memref_slice %arg6[%dma_start3A_31] : memref<2560xi32, #tpu.memory_space<vmem>> -> memref<128xi32, #tpu.memory_space<vmem>>
    %dma_start3A_33 = tpu.memref_slice %arg2[%add3A_27] : memref<81920xi32, #tpu.memory_space<hbm>> -> memref<128xi32, #tpu.memory_space<hbm>>
    tpu.enqueue_dma source(%dma_start3A_33 : memref<128xi32, #tpu.memory_space<hbm>>) target(%dma_start3A_32 : memref<128xi32, #tpu.memory_space<vmem>>) target_semaphore(%arg20 : memref<!tpu.dma_semaphore, #tpu.memory_space<semaphore_mem>>)
    %add3A_34 = arith.constant 16384 : i32
    %add3A_35 = arith.addi %add3A_34, %mul3A_2 : i32
    %dma_start3A_36 = arith.constant 512 : i32
    %dma_start3A_37 = tpu.memref_slice %arg6[%dma_start3A_36] : memref<2560xi32, #tpu.memory_space<vmem>> -> memref<128xi32, #tpu.memory_space<vmem>>
    %dma_start3A_38 = tpu.memref_slice %arg2[%add3A_35] : memref<81920xi32, #tpu.memory_space<hbm>> -> memref<128xi32, #tpu.memory_space<hbm>>
    %dma_start3A_39 = arith.constant 512 : i32
    %dma_start3A_40 = tpu.memref_slice %arg6[%dma_start3A_39] : memref<2560xi32, #tpu.memory_space<vmem>> -> memref<128xi32, #tpu.memory_space<vmem>>
    %dma_start3A_41 = tpu.memref_slice %arg2[%add3A_35] : memref<81920xi32, #tpu.memory_space<hbm>> -> memref<128xi32, #tpu.memory_space<hbm>>
    tpu.enqueue_dma source(%dma_start3A_41 : memref<128xi32, #tpu.memory_space<hbm>>) target(%dma_start3A_40 : memref<128xi32, #tpu.memory_space<vmem>>) target_semaphore(%arg20 : memref<!tpu.dma_semaphore, #tpu.memory_space<semaphore_mem>>)
    %add3A_42 = arith.constant 20480 : i32
    %add3A_43 = arith.addi %add3A_42, %mul3A_2 : i32
    %dma_start3A_44 = arith.constant 640 : i32
    %dma_start3A_45 = tpu.memref_slice %arg6[%dma_start3A_44] : memref<2560xi32, #tpu.memory_space<vmem>> -> memref<128xi32, #tpu.memory_space<vmem>>
    %dma_start3A_46 = tpu.memref_slice %arg2[%add3A_43] : memref<81920xi32, #tpu.memory_space<hbm>> -> memref<128xi32, #tpu.memory_space<hbm>>
    %dma_start3A_47 = arith.constant 640 : i32
    %dma_start3A_48 = tpu.memref_slice %arg6[%dma_start3A_47] : memref<2560xi32, #tpu.memory_space<vmem>> -> memref<128xi32, #tpu.memory_space<vmem>>
    %dma_start3A_49 = tpu.memref_slice %arg2[%add3A_43] : memref<81920xi32, #tpu.memory_space<hbm>> -> memref<128xi32, #tpu.memory_space<hbm>>
    tpu.enqueue_dma source(%dma_start3A_49 : memref<128xi32, #tpu.memory_space<hbm>>) target(%dma_start3A_48 : memref<128xi32, #tpu.memory_space<vmem>>) target_semaphore(%arg20 : memref<!tpu.dma_semaphore, #tpu.memory_space<semaphore_mem>>)
    %add3A_50 = arith.constant 24576 : i32
    %add3A_51 = arith.addi %add3A_50, %mul3A_2 : i32
    %dma_start3A_52 = arith.constant 768 : i32
    %dma_start3A_53 = tpu.memref_slice %arg6[%dma_start3A_52] : memref<2560xi32, #tpu.memory_space<vmem>> -> memref<128xi32, #tpu.memory_space<vmem>>
    %dma_start3A_54 = tpu.memref_slice %arg2[%add3A_51] : memref<81920xi32, #tpu.memory_space<hbm>> -> memref<128xi32, #tpu.memory_space<hbm>>
    %dma_start3A_55 = arith.constant 768 : i32
    %dma_start3A_56 = tpu.memref_slice %arg6[%dma_start3A_55] : memref<2560xi32, #tpu.memory_space<vmem>> -> memref<128xi32, #tpu.memory_space<vmem>>
    %dma_start3A_57 = tpu.memref_slice %arg2[%add3A_51] : memref<81920xi32, #tpu.memory_space<hbm>> -> memref<128xi32, #tpu.memory_space<hbm>>
    tpu.enqueue_dma source(%dma_start3A_57 : memref<128xi32, #tpu.memory_space<hbm>>) target(%dma_start3A_56 : memref<128xi32, #tpu.memory_space<vmem>>) target_semaphore(%arg20 : memref<!tpu.dma_semaphore, #tpu.memory_space<semaphore_mem>>)
    %add3A_58 = arith.constant 28672 : i32
    %add3A_59 = arith.addi %add3A_58, %mul3A_2 : i32
    %dma_start3A_60 = arith.constant 896 : i32
    %dma_start3A_61 = tpu.memref_slice %arg6[%dma_start3A_60] : memref<2560xi32, #tpu.memory_space<vmem>> -> memref<128xi32, #tpu.memory_space<vmem>>
    %dma_start3A_62 = tpu.memref_slice %arg2[%add3A_59] : memref<81920xi32, #tpu.memory_space<hbm>> -> memref<128xi32, #tpu.memory_space<hbm>>
    %dma_start3A_63 = arith.constant 896 : i32
    %dma_start3A_64 = tpu.memref_slice %arg6[%dma_start3A_63] : memref<2560xi32, #tpu.memory_space<vmem>> -> memref<128xi32, #tpu.memory_space<vmem>>
    %dma_start3A_65 = tpu.memref_slice %arg2[%add3A_59] : memref<81920xi32, #tpu.memory_space<hbm>> -> memref<128xi32, #tpu.memory_space<hbm>>
    tpu.enqueue_dma source(%dma_start3A_65 : memref<128xi32, #tpu.memory_space<hbm>>) target(%dma_start3A_64 : memref<128xi32, #tpu.memory_space<vmem>>) target_semaphore(%arg20 : memref<!tpu.dma_semaphore, #tpu.memory_space<semaphore_mem>>)
    %add3A_66 = arith.constant 32768 : i32
    %add3A_67 = arith.addi %add3A_66, %mul3A_2 : i32
    %dma_start3A_68 = arith.constant 1024 : i32
    %dma_start3A_69 = tpu.memref_slice %arg6[%dma_start3A_68] : memref<2560xi32, #tpu.memory_space<vmem>> -> memref<128xi32, #tpu.memory_space<vmem>>
    %dma_start3A_70 = tpu.memref_slice %arg2[%add3A_67] : memref<81920xi32, #tpu.memory_space<hbm>> -> memref<128xi32, #tpu.memory_space<hbm>>
    %dma_start3A_71 = arith.constant 1024 : i32
    %dma_start3A_72 = tpu.memref_slice %arg6[%dma_start3A_71] : memref<2560xi32, #tpu.memory_space<vmem>> -> memref<128xi32, #tpu.memory_space<vmem>>
    %dma_start3A_73 = tpu.memref_slice %arg2[%add3A_67] : memref<81920xi32, #tpu.memory_space<hbm>> -> memref<128xi32, #tpu.memory_space<hbm>>
    tpu.enqueue_dma source(%dma_start3A_73 : memref<128xi32, #tpu.memory_space<hbm>>) target(%dma_start3A_72 : memref<128xi32, #tpu.memory_space<vmem>>) target_semaphore(%arg20 : memref<!tpu.dma_semaphore, #tpu.memory_space<semaphore_mem>>)
    %add3A_74 = arith.constant 36864 : i32
    %add3A_75 = arith.addi %add3A_74, %mul3A_2 : i32
    %dma_start3A_76 = arith.constant 1152 : i32
    %dma_start3A_77 = tpu.memref_slice %arg6[%dma_start3A_76] : memref<2560xi32, #tpu.memory_space<vmem>> -> memref<128xi32, #tpu.memory_space<vmem>>
    %dma_start3A_78 = tpu.memref_slice %arg2[%add3A_75] : memref<81920xi32, #tpu.memory_space<hbm>> -> memref<128xi32, #tpu.memory_space<hbm>>
    %dma_start3A_79 = arith.constant 1152 : i32
    %dma_start3A_80 = tpu.memref_slice %arg6[%dma_start3A_79] : memref<2560xi32, #tpu.memory_space<vmem>> -> memref<128xi32, #tpu.memory_space<vmem>>
    %dma_start3A_81 = tpu.memref_slice %arg2[%add3A_75] : memref<81920xi32, #tpu.memory_space<hbm>> -> memref<128xi32, #tpu.memory_space<hbm>>
    tpu.enqueue_dma source(%dma_start3A_81 : memref<128xi32, #tpu.memory_space<hbm>>) target(%dma_start3A_80 : memref<128xi32, #tpu.memory_space<vmem>>) target_semaphore(%arg20 : memref<!tpu.dma_semaphore, #tpu.memory_space<semaphore_mem>>)
    %add3A_82 = arith.constant 40960 : i32
    %add3A_83 = arith.addi %add3A_82, %mul3A_2 : i32
    %dma_start3A_84 = arith.constant 1280 : i32
    %dma_start3A_85 = tpu.memref_slice %arg6[%dma_start3A_84] : memref<2560xi32, #tpu.memory_space<vmem>> -> memref<128xi32, #tpu.memory_space<vmem>>
    %dma_start3A_86 = tpu.memref_slice %arg2[%add3A_83] : memref<81920xi32, #tpu.memory_space<hbm>> -> memref<128xi32, #tpu.memory_space<hbm>>
    %dma_start3A_87 = arith.constant 1280 : i32
    %dma_start3A_88 = tpu.memref_slice %arg6[%dma_start3A_87] : memref<2560xi32, #tpu.memory_space<vmem>> -> memref<128xi32, #tpu.memory_space<vmem>>
    %dma_start3A_89 = tpu.memref_slice %arg2[%add3A_83] : memref<81920xi32, #tpu.memory_space<hbm>> -> memref<128xi32, #tpu.memory_space<hbm>>
    tpu.enqueue_dma source(%dma_start3A_89 : memref<128xi32, #tpu.memory_space<hbm>>) target(%dma_start3A_88 : memref<128xi32, #tpu.memory_space<vmem>>) target_semaphore(%arg20 : memref<!tpu.dma_semaphore, #tpu.memory_space<semaphore_mem>>)
    %add3A_90 = arith.constant 45056 : i32
    %add3A_91 = arith.addi %add3A_90, %mul3A_2 : i32
    %dma_start3A_92 = arith.constant 1408 : i32
    %dma_start3A_93 = tpu.memref_slice %arg6[%dma_start3A_92] : memref<2560xi32, #tpu.memory_space<vmem>> -> memref<128xi32, #tpu.memory_space<vmem>>
    %dma_start3A_94 = tpu.memref_slice %arg2[%add3A_91] : memref<81920xi32, #tpu.memory_space<hbm>> -> memref<128xi32, #tpu.memory_space<hbm>>
    %dma_start3A_95 = arith.constant 1408 : i32
    %dma_start3A_96 = tpu.memref_slice %arg6[%dma_start3A_95] : memref<2560xi32, #tpu.memory_space<vmem>> -> memref<128xi32, #tpu.memory_space<vmem>>
    %dma_start3A_97 = tpu.memref_slice %arg2[%add3A_91] : memref<81920xi32, #tpu.memory_space<hbm>> -> memref<128xi32, #tpu.memory_space<hbm>>
    tpu.enqueue_dma source(%dma_start3A_97 : memref<128xi32, #tpu.memory_space<hbm>>) target(%dma_start3A_96 : memref<128xi32, #tpu.memory_space<vmem>>) target_semaphore(%arg20 : memref<!tpu.dma_semaphore, #tpu.memory_space<semaphore_mem>>)
    %add3A_98 = arith.constant 49152 : i32
    %add3A_99 = arith.addi %add3A_98, %mul3A_2 : i32
    %dma_start3A_100 = arith.constant 1536 : i32
    %dma_start3A_101 = tpu.memref_slice %arg6[%dma_start3A_100] : memref<2560xi32, #tpu.memory_space<vmem>> -> memref<128xi32, #tpu.memory_space<vmem>>
    %dma_start3A_102 = tpu.memref_slice %arg2[%add3A_99] : memref<81920xi32, #tpu.memory_space<hbm>> -> memref<128xi32, #tpu.memory_space<hbm>>
    %dma_start3A_103 = arith.constant 1536 : i32
    %dma_start3A_104 = tpu.memref_slice %arg6[%dma_start3A_103] : memref<2560xi32, #tpu.memory_space<vmem>> -> memref<128xi32, #tpu.memory_space<vmem>>
    %dma_start3A_105 = tpu.memref_slice %arg2[%add3A_99] : memref<81920xi32, #tpu.memory_space<hbm>> -> memref<128xi32, #tpu.memory_space<hbm>>
    tpu.enqueue_dma source(%dma_start3A_105 : memref<128xi32, #tpu.memory_space<hbm>>) target(%dma_start3A_104 : memref<128xi32, #tpu.memory_space<vmem>>) target_semaphore(%arg20 : memref<!tpu.dma_semaphore, #tpu.memory_space<semaphore_mem>>)
    %add3A_106 = arith.constant 53248 : i32
    %add3A_107 = arith.addi %add3A_106, %mul3A_2 : i32
    %dma_start3A_108 = arith.constant 1664 : i32
    %dma_start3A_109 = tpu.memref_slice %arg6[%dma_start3A_108] : memref<2560xi32, #tpu.memory_space<vmem>> -> memref<128xi32, #tpu.memory_space<vmem>>
    %dma_start3A_110 = tpu.memref_slice %arg2[%add3A_107] : memref<81920xi32, #tpu.memory_space<hbm>> -> memref<128xi32, #tpu.memory_space<hbm>>
    %dma_start3A_111 = arith.constant 1664 : i32
    %dma_start3A_112 = tpu.memref_slice %arg6[%dma_start3A_111] : memref<2560xi32, #tpu.memory_space<vmem>> -> memref<128xi32, #tpu.memory_space<vmem>>
    %dma_start3A_113 = tpu.memref_slice %arg2[%add3A_107] : memref<81920xi32, #tpu.memory_space<hbm>> -> memref<128xi32, #tpu.memory_space<hbm>>
    tpu.enqueue_dma source(%dma_start3A_113 : memref<128xi32, #tpu.memory_space<hbm>>) target(%dma_start3A_112 : memref<128xi32, #tpu.memory_space<vmem>>) target_semaphore(%arg20 : memref<!tpu.dma_semaphore, #tpu.memory_space<semaphore_mem>>)
    %add3A_114 = arith.constant 57344 : i32
    %add3A_115 = arith.addi %add3A_114, %mul3A_2 : i32
    %dma_start3A_116 = arith.constant 1792 : i32
    %dma_start3A_117 = tpu.memref_slice %arg6[%dma_start3A_116] : memref<2560xi32, #tpu.memory_space<vmem>> -> memref<128xi32, #tpu.memory_space<vmem>>
    %dma_start3A_118 = tpu.memref_slice %arg2[%add3A_115] : memref<81920xi32, #tpu.memory_space<hbm>> -> memref<128xi32, #tpu.memory_space<hbm>>
    %dma_start3A_119 = arith.constant 1792 : i32
    %dma_start3A_120 = tpu.memref_slice %arg6[%dma_start3A_119] : memref<2560xi32, #tpu.memory_space<vmem>> -> memref<128xi32, #tpu.memory_space<vmem>>
    %dma_start3A_121 = tpu.memref_slice %arg2[%add3A_115] : memref<81920xi32, #tpu.memory_space<hbm>> -> memref<128xi32, #tpu.memory_space<hbm>>
    tpu.enqueue_dma source(%dma_start3A_121 : memref<128xi32, #tpu.memory_space<hbm>>) target(%dma_start3A_120 : memref<128xi32, #tpu.memory_space<vmem>>) target_semaphore(%arg20 : memref<!tpu.dma_semaphore, #tpu.memory_space<semaphore_mem>>)
    %add3A_122 = arith.constant 61440 : i32
    %add3A_123 = arith.addi %add3A_122, %mul3A_2 : i32
    %dma_start3A_124 = arith.constant 1920 : i32
    %dma_start3A_125 = tpu.memref_slice %arg6[%dma_start3A_124] : memref<2560xi32, #tpu.memory_space<vmem>> -> memref<128xi32, #tpu.memory_space<vmem>>
    %dma_start3A_126 = tpu.memref_slice %arg2[%add3A_123] : memref<81920xi32, #tpu.memory_space<hbm>> -> memref<128xi32, #tpu.memory_space<hbm>>
    %dma_start3A_127 = arith.constant 1920 : i32
    %dma_start3A_128 = tpu.memref_slice %arg6[%dma_start3A_127] : memref<2560xi32, #tpu.memory_space<vmem>> -> memref<128xi32, #tpu.memory_space<vmem>>
    %dma_start3A_129 = tpu.memref_slice %arg2[%add3A_123] : memref<81920xi32, #tpu.memory_space<hbm>> -> memref<128xi32, #tpu.memory_space<hbm>>
    tpu.enqueue_dma source(%dma_start3A_129 : memref<128xi32, #tpu.memory_space<hbm>>) target(%dma_start3A_128 : memref<128xi32, #tpu.memory_space<vmem>>) target_semaphore(%arg20 : memref<!tpu.dma_semaphore, #tpu.memory_space<semaphore_mem>>)
    %add3A_130 = arith.constant 65536 : i32
    %add3A_131 = arith.addi %add3A_130, %mul3A_2 : i32
    %dma_start3A_132 = arith.constant 2048 : i32
    %dma_start3A_133 = tpu.memref_slice %arg6[%dma_start3A_132] : memref<2560xi32, #tpu.memory_space<vmem>> -> memref<128xi32, #tpu.memory_space<vmem>>
    %dma_start3A_134 = tpu.memref_slice %arg2[%add3A_131] : memref<81920xi32, #tpu.memory_space<hbm>> -> memref<128xi32, #tpu.memory_space<hbm>>
    %dma_start3A_135 = arith.constant 2048 : i32
    %dma_start3A_136 = tpu.memref_slice %arg6[%dma_start3A_135] : memref<2560xi32, #tpu.memory_space<vmem>> -> memref<128xi32, #tpu.memory_space<vmem>>
    %dma_start3A_137 = tpu.memref_slice %arg2[%add3A_131] : memref<81920xi32, #tpu.memory_space<hbm>> -> memref<128xi32, #tpu.memory_space<hbm>>
    tpu.enqueue_dma source(%dma_start3A_137 : memref<128xi32, #tpu.memory_space<hbm>>) target(%dma_start3A_136 : memref<128xi32, #tpu.memory_space<vmem>>) target_semaphore(%arg20 : memref<!tpu.dma_semaphore, #tpu.memory_space<semaphore_mem>>)
    %add3A_138 = arith.constant 69632 : i32
    %add3A_139 = arith.addi %add3A_138, %mul3A_2 : i32
    %dma_start3A_140 = arith.constant 2176 : i32
    %dma_start3A_141 = tpu.memref_slice %arg6[%dma_start3A_140] : memref<2560xi32, #tpu.memory_space<vmem>> -> memref<128xi32, #tpu.memory_space<vmem>>
    %dma_start3A_142 = tpu.memref_slice %arg2[%add3A_139] : memref<81920xi32, #tpu.memory_space<hbm>> -> memref<128xi32, #tpu.memory_space<hbm>>
    %dma_start3A_143 = arith.constant 2176 : i32
    %dma_start3A_144 = tpu.memref_slice %arg6[%dma_start3A_143] : memref<2560xi32, #tpu.memory_space<vmem>> -> memref<128xi32, #tpu.memory_space<vmem>>
    %dma_start3A_145 = tpu.memref_slice %arg2[%add3A_139] : memref<81920xi32, #tpu.memory_space<hbm>> -> memref<128xi32, #tpu.memory_space<hbm>>
    tpu.enqueue_dma source(%dma_start3A_145 : memref<128xi32, #tpu.memory_space<hbm>>) target(%dma_start3A_144 : memref<128xi32, #tpu.memory_space<vmem>>) target_semaphore(%arg20 : memref<!tpu.dma_semaphore, #tpu.memory_space<semaphore_mem>>)
    %add3A_146 = arith.constant 73728 : i32
    %add3A_147 = arith.addi %add3A_146, %mul3A_2 : i32
    %dma_start3A_148 = arith.constant 2304 : i32
    %dma_start3A_149 = tpu.memref_slice %arg6[%dma_start3A_148] : memref<2560xi32, #tpu.memory_space<vmem>> -> memref<128xi32, #tpu.memory_space<vmem>>
    %dma_start3A_150 = tpu.memref_slice %arg2[%add3A_147] : memref<81920xi32, #tpu.memory_space<hbm>> -> memref<128xi32, #tpu.memory_space<hbm>>
    %dma_start3A_151 = arith.constant 2304 : i32
    %dma_start3A_152 = tpu.memref_slice %arg6[%dma_start3A_151] : memref<2560xi32, #tpu.memory_space<vmem>> -> memref<128xi32, #tpu.memory_space<vmem>>
    %dma_start3A_153 = tpu.memref_slice %arg2[%add3A_147] : memref<81920xi32, #tpu.memory_space<hbm>> -> memref<128xi32, #tpu.memory_space<hbm>>
    tpu.enqueue_dma source(%dma_start3A_153 : memref<128xi32, #tpu.memory_space<hbm>>) target(%dma_start3A_152 : memref<128xi32, #tpu.memory_space<vmem>>) target_semaphore(%arg20 : memref<!tpu.dma_semaphore, #tpu.memory_space<semaphore_mem>>)
    %add3A_154 = arith.constant 77824 : i32
    %add3A_155 = arith.addi %add3A_154, %mul3A_2 : i32
    %dma_start3A_156 = arith.constant 2432 : i32
    %dma_start3A_157 = tpu.memref_slice %arg6[%dma_start3A_156] : memref<2560xi32, #tpu.memory_space<vmem>> -> memref<128xi32, #tpu.memory_space<vmem>>
    %dma_start3A_158 = tpu.memref_slice %arg2[%add3A_155] : memref<81920xi32, #tpu.memory_space<hbm>> -> memref<128xi32, #tpu.memory_space<hbm>>
    %dma_start3A_159 = arith.constant 2432 : i32
    %dma_start3A_160 = tpu.memref_slice %arg6[%dma_start3A_159] : memref<2560xi32, #tpu.memory_space<vmem>> -> memref<128xi32, #tpu.memory_space<vmem>>
    %dma_start3A_161 = tpu.memref_slice %arg2[%add3A_155] : memref<81920xi32, #tpu.memory_space<hbm>> -> memref<128xi32, #tpu.memory_space<hbm>>
    tpu.enqueue_dma source(%dma_start3A_161 : memref<128xi32, #tpu.memory_space<hbm>>) target(%dma_start3A_160 : memref<128xi32, #tpu.memory_space<vmem>>) target_semaphore(%arg20 : memref<!tpu.dma_semaphore, #tpu.memory_space<semaphore_mem>>)
    %add3A_162 = arith.constant 0 : i32
    %add3A_163 = arith.addi %add3A_162, %mul3A_2 : i32
    %dma_wait3A = arith.constant 0 : i32
    %dma_wait3A_164 = tpu.memref_slice %arg6[%dma_wait3A] : memref<2560xi32, #tpu.memory_space<vmem>> -> memref<128xi32, #tpu.memory_space<vmem>>
    %dma_wait3A_165 = tpu.memref_slice %arg2[%add3A_163] : memref<81920xi32, #tpu.memory_space<hbm>> -> memref<128xi32, #tpu.memory_space<hbm>>
    %dma_wait3A_166 = arith.constant 0 : i32
    %dma_wait3A_167 = tpu.memref_slice %arg6[%dma_wait3A_166] : memref<2560xi32, #tpu.memory_space<vmem>> -> memref<128xi32, #tpu.memory_space<vmem>>
    %dma_wait3A_168 = tpu.memref_slice %arg2[%add3A_163] : memref<81920xi32, #tpu.memory_space<hbm>> -> memref<128xi32, #tpu.memory_space<hbm>>
    tpu.wait_dma2 semaphore(%arg20 : memref<!tpu.dma_semaphore, #tpu.memory_space<semaphore_mem>>) src(%dma_wait3A_168 : memref<128xi32, #tpu.memory_space<hbm>>) dst(%dma_wait3A_167 : memref<128xi32, #tpu.memory_space<vmem>>)
    %add3A_169 = arith.constant 4096 : i32
    %add3A_170 = arith.addi %add3A_169, %mul3A_2 : i32
    %dma_wait3A_171 = arith.constant 128 : i32
    %dma_wait3A_172 = tpu.memref_slice %arg6[%dma_wait3A_171] : memref<2560xi32, #tpu.memory_space<vmem>> -> memref<128xi32, #tpu.memory_space<vmem>>
    %dma_wait3A_173 = tpu.memref_slice %arg2[%add3A_170] : memref<81920xi32, #tpu.memory_space<hbm>> -> memref<128xi32, #tpu.memory_space<hbm>>
    %dma_wait3A_174 = arith.constant 128 : i32
    %dma_wait3A_175 = tpu.memref_slice %arg6[%dma_wait3A_174] : memref<2560xi32, #tpu.memory_space<vmem>> -> memref<128xi32, #tpu.memory_space<vmem>>
    %dma_wait3A_176 = tpu.memref_slice %arg2[%add3A_170] : memref<81920xi32, #tpu.memory_space<hbm>> -> memref<128xi32, #tpu.memory_space<hbm>>
    tpu.wait_dma2 semaphore(%arg20 : memref<!tpu.dma_semaphore, #tpu.memory_space<semaphore_mem>>) src(%dma_wait3A_176 : memref<128xi32, #tpu.memory_space<hbm>>) dst(%dma_wait3A_175 : memref<128xi32, #tpu.memory_space<vmem>>)
    %add3A_177 = arith.constant 8192 : i32
    %add3A_178 = arith.addi %add3A_177, %mul3A_2 : i32
    %dma_wait3A_179 = arith.constant 256 : i32
    %dma_wait3A_180 = tpu.memref_slice %arg6[%dma_wait3A_179] : memref<2560xi32, #tpu.memory_space<vmem>> -> memref<128xi32, #tpu.memory_space<vmem>>
    %dma_wait3A_181 = tpu.memref_slice %arg2[%add3A_178] : memref<81920xi32, #tpu.memory_space<hbm>> -> memref<128xi32, #tpu.memory_space<hbm>>
    %dma_wait3A_182 = arith.constant 256 : i32
    %dma_wait3A_183 = tpu.memref_slice %arg6[%dma_wait3A_182] : memref<2560xi32, #tpu.memory_space<vmem>> -> memref<128xi32, #tpu.memory_space<vmem>>
    %dma_wait3A_184 = tpu.memref_slice %arg2[%add3A_178] : memref<81920xi32, #tpu.memory_space<hbm>> -> memref<128xi32, #tpu.memory_space<hbm>>
    tpu.wait_dma2 semaphore(%arg20 : memref<!tpu.dma_semaphore, #tpu.memory_space<semaphore_mem>>) src(%dma_wait3A_184 : memref<128xi32, #tpu.memory_space<hbm>>) dst(%dma_wait3A_183 : memref<128xi32, #tpu.memory_space<vmem>>)
    %add3A_185 = arith.constant 12288 : i32
    %add3A_186 = arith.addi %add3A_185, %mul3A_2 : i32
    %dma_wait3A_187 = arith.constant 384 : i32
    %dma_wait3A_188 = tpu.memref_slice %arg6[%dma_wait3A_187] : memref<2560xi32, #tpu.memory_space<vmem>> -> memref<128xi32, #tpu.memory_space<vmem>>
    %dma_wait3A_189 = tpu.memref_slice %arg2[%add3A_186] : memref<81920xi32, #tpu.memory_space<hbm>> -> memref<128xi32, #tpu.memory_space<hbm>>
    %dma_wait3A_190 = arith.constant 384 : i32
    %dma_wait3A_191 = tpu.memref_slice %arg6[%dma_wait3A_190] : memref<2560xi32, #tpu.memory_space<vmem>> -> memref<128xi32, #tpu.memory_space<vmem>>
    %dma_wait3A_192 = tpu.memref_slice %arg2[%add3A_186] : memref<81920xi32, #tpu.memory_space<hbm>> -> memref<128xi32, #tpu.memory_space<hbm>>
    tpu.wait_dma2 semaphore(%arg20 : memref<!tpu.dma_semaphore, #tpu.memory_space<semaphore_mem>>) src(%dma_wait3A_192 : memref<128xi32, #tpu.memory_space<hbm>>) dst(%dma_wait3A_191 : memref<128xi32, #tpu.memory_space<vmem>>)
    %add3A_193 = arith.constant 16384 : i32
    %add3A_194 = arith.addi %add3A_193, %mul3A_2 : i32
    %dma_wait3A_195 = arith.constant 512 : i32
    %dma_wait3A_196 = tpu.memref_slice %arg6[%dma_wait3A_195] : memref<2560xi32, #tpu.memory_space<vmem>> -> memref<128xi32, #tpu.memory_space<vmem>>
    %dma_wait3A_197 = tpu.memref_slice %arg2[%add3A_194] : memref<81920xi32, #tpu.memory_space<hbm>> -> memref<128xi32, #tpu.memory_space<hbm>>
    %dma_wait3A_198 = arith.constant 512 : i32
    %dma_wait3A_199 = tpu.memref_slice %arg6[%dma_wait3A_198] : memref<2560xi32, #tpu.memory_space<vmem>> -> memref<128xi32, #tpu.memory_space<vmem>>
    %dma_wait3A_200 = tpu.memref_slice %arg2[%add3A_194] : memref<81920xi32, #tpu.memory_space<hbm>> -> memref<128xi32, #tpu.memory_space<hbm>>
    tpu.wait_dma2 semaphore(%arg20 : memref<!tpu.dma_semaphore, #tpu.memory_space<semaphore_mem>>) src(%dma_wait3A_200 : memref<128xi32, #tpu.memory_space<hbm>>) dst(%dma_wait3A_199 : memref<128xi32, #tpu.memory_space<vmem>>)
    %add3A_201 = arith.constant 20480 : i32
    %add3A_202 = arith.addi %add3A_201, %mul3A_2 : i32
    %dma_wait3A_203 = arith.constant 640 : i32
    %dma_wait3A_204 = tpu.memref_slice %arg6[%dma_wait3A_203] : memref<2560xi32, #tpu.memory_space<vmem>> -> memref<128xi32, #tpu.memory_space<vmem>>
    %dma_wait3A_205 = tpu.memref_slice %arg2[%add3A_202] : memref<81920xi32, #tpu.memory_space<hbm>> -> memref<128xi32, #tpu.memory_space<hbm>>
    %dma_wait3A_206 = arith.constant 640 : i32
    %dma_wait3A_207 = tpu.memref_slice %arg6[%dma_wait3A_206] : memref<2560xi32, #tpu.memory_space<vmem>> -> memref<128xi32, #tpu.memory_space<vmem>>
    %dma_wait3A_208 = tpu.memref_slice %arg2[%add3A_202] : memref<81920xi32, #tpu.memory_space<hbm>> -> memref<128xi32, #tpu.memory_space<hbm>>
    tpu.wait_dma2 semaphore(%arg20 : memref<!tpu.dma_semaphore, #tpu.memory_space<semaphore_mem>>) src(%dma_wait3A_208 : memref<128xi32, #tpu.memory_space<hbm>>) dst(%dma_wait3A_207 : memref<128xi32, #tpu.memory_space<vmem>>)
    %add3A_209 = arith.constant 24576 : i32
    %add3A_210 = arith.addi %add3A_209, %mul3A_2 : i32
    %dma_wait3A_211 = arith.constant 768 : i32
    %dma_wait3A_212 = tpu.memref_slice %arg6[%dma_wait3A_211] : memref<2560xi32, #tpu.memory_space<vmem>> -> memref<128xi32, #tpu.memory_space<vmem>>
    %dma_wait3A_213 = tpu.memref_slice %arg2[%add3A_210] : memref<81920xi32, #tpu.memory_space<hbm>> -> memref<128xi32, #tpu.memory_space<hbm>>
    %dma_wait3A_214 = arith.constant 768 : i32
    %dma_wait3A_215 = tpu.memref_slice %arg6[%dma_wait3A_214] : memref<2560xi32, #tpu.memory_space<vmem>> -> memref<128xi32, #tpu.memory_space<vmem>>
    %dma_wait3A_216 = tpu.memref_slice %arg2[%add3A_210] : memref<81920xi32, #tpu.memory_space<hbm>> -> memref<128xi32, #tpu.memory_space<hbm>>
    tpu.wait_dma2 semaphore(%arg20 : memref<!tpu.dma_semaphore, #tpu.memory_space<semaphore_mem>>) src(%dma_wait3A_216 : memref<128xi32, #tpu.memory_space<hbm>>) dst(%dma_wait3A_215 : memref<128xi32, #tpu.memory_space<vmem>>)
    %add3A_217 = arith.constant 28672 : i32
    %add3A_218 = arith.addi %add3A_217, %mul3A_2 : i32
    %dma_wait3A_219 = arith.constant 896 : i32
    %dma_wait3A_220 = tpu.memref_slice %arg6[%dma_wait3A_219] : memref<2560xi32, #tpu.memory_space<vmem>> -> memref<128xi32, #tpu.memory_space<vmem>>
    %dma_wait3A_221 = tpu.memref_slice %arg2[%add3A_218] : memref<81920xi32, #tpu.memory_space<hbm>> -> memref<128xi32, #tpu.memory_space<hbm>>
    %dma_wait3A_222 = arith.constant 896 : i32
    %dma_wait3A_223 = tpu.memref_slice %arg6[%dma_wait3A_222] : memref<2560xi32, #tpu.memory_space<vmem>> -> memref<128xi32, #tpu.memory_space<vmem>>
    %dma_wait3A_224 = tpu.memref_slice %arg2[%add3A_218] : memref<81920xi32, #tpu.memory_space<hbm>> -> memref<128xi32, #tpu.memory_space<hbm>>
    tpu.wait_dma2 semaphore(%arg20 : memref<!tpu.dma_semaphore, #tpu.memory_space<semaphore_mem>>) src(%dma_wait3A_224 : memref<128xi32, #tpu.memory_space<hbm>>) dst(%dma_wait3A_223 : memref<128xi32, #tpu.memory_space<vmem>>)
    %add3A_225 = arith.constant 32768 : i32
    %add3A_226 = arith.addi %add3A_225, %mul3A_2 : i32
    %dma_wait3A_227 = arith.constant 1024 : i32
    %dma_wait3A_228 = tpu.memref_slice %arg6[%dma_wait3A_227] : memref<2560xi32, #tpu.memory_space<vmem>> -> memref<128xi32, #tpu.memory_space<vmem>>
    %dma_wait3A_229 = tpu.memref_slice %arg2[%add3A_226] : memref<81920xi32, #tpu.memory_space<hbm>> -> memref<128xi32, #tpu.memory_space<hbm>>
    %dma_wait3A_230 = arith.constant 1024 : i32
    %dma_wait3A_231 = tpu.memref_slice %arg6[%dma_wait3A_230] : memref<2560xi32, #tpu.memory_space<vmem>> -> memref<128xi32, #tpu.memory_space<vmem>>
    %dma_wait3A_232 = tpu.memref_slice %arg2[%add3A_226] : memref<81920xi32, #tpu.memory_space<hbm>> -> memref<128xi32, #tpu.memory_space<hbm>>
    tpu.wait_dma2 semaphore(%arg20 : memref<!tpu.dma_semaphore, #tpu.memory_space<semaphore_mem>>) src(%dma_wait3A_232 : memref<128xi32, #tpu.memory_space<hbm>>) dst(%dma_wait3A_231 : memref<128xi32, #tpu.memory_space<vmem>>)
    %add3A_233 = arith.constant 36864 : i32
    %add3A_234 = arith.addi %add3A_233, %mul3A_2 : i32
    %dma_wait3A_235 = arith.constant 1152 : i32
    %dma_wait3A_236 = tpu.memref_slice %arg6[%dma_wait3A_235] : memref<2560xi32, #tpu.memory_space<vmem>> -> memref<128xi32, #tpu.memory_space<vmem>>
    %dma_wait3A_237 = tpu.memref_slice %arg2[%add3A_234] : memref<81920xi32, #tpu.memory_space<hbm>> -> memref<128xi32, #tpu.memory_space<hbm>>
    %dma_wait3A_238 = arith.constant 1152 : i32
    %dma_wait3A_239 = tpu.memref_slice %arg6[%dma_wait3A_238] : memref<2560xi32, #tpu.memory_space<vmem>> -> memref<128xi32, #tpu.memory_space<vmem>>
    %dma_wait3A_240 = tpu.memref_slice %arg2[%add3A_234] : memref<81920xi32, #tpu.memory_space<hbm>> -> memref<128xi32, #tpu.memory_space<hbm>>
    tpu.wait_dma2 semaphore(%arg20 : memref<!tpu.dma_semaphore, #tpu.memory_space<semaphore_mem>>) src(%dma_wait3A_240 : memref<128xi32, #tpu.memory_space<hbm>>) dst(%dma_wait3A_239 : memref<128xi32, #tpu.memory_space<vmem>>)
    %add3A_241 = arith.constant 40960 : i32
    %add3A_242 = arith.addi %add3A_241, %mul3A_2 : i32
    %dma_wait3A_243 = arith.constant 1280 : i32
    %dma_wait3A_244 = tpu.memref_slice %arg6[%dma_wait3A_243] : memref<2560xi32, #tpu.memory_space<vmem>> -> memref<128xi32, #tpu.memory_space<vmem>>
    %dma_wait3A_245 = tpu.memref_slice %arg2[%add3A_242] : memref<81920xi32, #tpu.memory_space<hbm>> -> memref<128xi32, #tpu.memory_space<hbm>>
    %dma_wait3A_246 = arith.constant 1280 : i32
    %dma_wait3A_247 = tpu.memref_slice %arg6[%dma_wait3A_246] : memref<2560xi32, #tpu.memory_space<vmem>> -> memref<128xi32, #tpu.memory_space<vmem>>
    %dma_wait3A_248 = tpu.memref_slice %arg2[%add3A_242] : memref<81920xi32, #tpu.memory_space<hbm>> -> memref<128xi32, #tpu.memory_space<hbm>>
    tpu.wait_dma2 semaphore(%arg20 : memref<!tpu.dma_semaphore, #tpu.memory_space<semaphore_mem>>) src(%dma_wait3A_248 : memref<128xi32, #tpu.memory_space<hbm>>) dst(%dma_wait3A_247 : memref<128xi32, #tpu.memory_space<vmem>>)
    %add3A_249 = arith.constant 45056 : i32
    %add3A_250 = arith.addi %add3A_249, %mul3A_2 : i32
    %dma_wait3A_251 = arith.constant 1408 : i32
    %dma_wait3A_252 = tpu.memref_slice %arg6[%dma_wait3A_251] : memref<2560xi32, #tpu.memory_space<vmem>> -> memref<128xi32, #tpu.memory_space<vmem>>
    %dma_wait3A_253 = tpu.memref_slice %arg2[%add3A_250] : memref<81920xi32, #tpu.memory_space<hbm>> -> memref<128xi32, #tpu.memory_space<hbm>>
    %dma_wait3A_254 = arith.constant 1408 : i32
    %dma_wait3A_255 = tpu.memref_slice %arg6[%dma_wait3A_254] : memref<2560xi32, #tpu.memory_space<vmem>> -> memref<128xi32, #tpu.memory_space<vmem>>
    %dma_wait3A_256 = tpu.memref_slice %arg2[%add3A_250] : memref<81920xi32, #tpu.memory_space<hbm>> -> memref<128xi32, #tpu.memory_space<hbm>>
    tpu.wait_dma2 semaphore(%arg20 : memref<!tpu.dma_semaphore, #tpu.memory_space<semaphore_mem>>) src(%dma_wait3A_256 : memref<128xi32, #tpu.memory_space<hbm>>) dst(%dma_wait3A_255 : memref<128xi32, #tpu.memory_space<vmem>>)
    %add3A_257 = arith.constant 49152 : i32
    %add3A_258 = arith.addi %add3A_257, %mul3A_2 : i32
    %dma_wait3A_259 = arith.constant 1536 : i32
    %dma_wait3A_260 = tpu.memref_slice %arg6[%dma_wait3A_259] : memref<2560xi32, #tpu.memory_space<vmem>> -> memref<128xi32, #tpu.memory_space<vmem>>
    %dma_wait3A_261 = tpu.memref_slice %arg2[%add3A_258] : memref<81920xi32, #tpu.memory_space<hbm>> -> memref<128xi32, #tpu.memory_space<hbm>>
    %dma_wait3A_262 = arith.constant 1536 : i32
    %dma_wait3A_263 = tpu.memref_slice %arg6[%dma_wait3A_262] : memref<2560xi32, #tpu.memory_space<vmem>> -> memref<128xi32, #tpu.memory_space<vmem>>
    %dma_wait3A_264 = tpu.memref_slice %arg2[%add3A_258] : memref<81920xi32, #tpu.memory_space<hbm>> -> memref<128xi32, #tpu.memory_space<hbm>>
    tpu.wait_dma2 semaphore(%arg20 : memref<!tpu.dma_semaphore, #tpu.memory_space<semaphore_mem>>) src(%dma_wait3A_264 : memref<128xi32, #tpu.memory_space<hbm>>) dst(%dma_wait3A_263 : memref<128xi32, #tpu.memory_space<vmem>>)
    %add3A_265 = arith.constant 53248 : i32
    %add3A_266 = arith.addi %add3A_265, %mul3A_2 : i32
    %dma_wait3A_267 = arith.constant 1664 : i32
    %dma_wait3A_268 = tpu.memref_slice %arg6[%dma_wait3A_267] : memref<2560xi32, #tpu.memory_space<vmem>> -> memref<128xi32, #tpu.memory_space<vmem>>
    %dma_wait3A_269 = tpu.memref_slice %arg2[%add3A_266] : memref<81920xi32, #tpu.memory_space<hbm>> -> memref<128xi32, #tpu.memory_space<hbm>>
    %dma_wait3A_270 = arith.constant 1664 : i32
    %dma_wait3A_271 = tpu.memref_slice %arg6[%dma_wait3A_270] : memref<2560xi32, #tpu.memory_space<vmem>> -> memref<128xi32, #tpu.memory_space<vmem>>
    %dma_wait3A_272 = tpu.memref_slice %arg2[%add3A_266] : memref<81920xi32, #tpu.memory_space<hbm>> -> memref<128xi32, #tpu.memory_space<hbm>>
    tpu.wait_dma2 semaphore(%arg20 : memref<!tpu.dma_semaphore, #tpu.memory_space<semaphore_mem>>) src(%dma_wait3A_272 : memref<128xi32, #tpu.memory_space<hbm>>) dst(%dma_wait3A_271 : memref<128xi32, #tpu.memory_space<vmem>>)
    %add3A_273 = arith.constant 57344 : i32
    %add3A_274 = arith.addi %add3A_273, %mul3A_2 : i32
    %dma_wait3A_275 = arith.constant 1792 : i32
    %dma_wait3A_276 = tpu.memref_slice %arg6[%dma_wait3A_275] : memref<2560xi32, #tpu.memory_space<vmem>> -> memref<128xi32, #tpu.memory_space<vmem>>
    %dma_wait3A_277 = tpu.memref_slice %arg2[%add3A_274] : memref<81920xi32, #tpu.memory_space<hbm>> -> memref<128xi32, #tpu.memory_space<hbm>>
    %dma_wait3A_278 = arith.constant 1792 : i32
    %dma_wait3A_279 = tpu.memref_slice %arg6[%dma_wait3A_278] : memref<2560xi32, #tpu.memory_space<vmem>> -> memref<128xi32, #tpu.memory_space<vmem>>
    %dma_wait3A_280 = tpu.memref_slice %arg2[%add3A_274] : memref<81920xi32, #tpu.memory_space<hbm>> -> memref<128xi32, #tpu.memory_space<hbm>>
    tpu.wait_dma2 semaphore(%arg20 : memref<!tpu.dma_semaphore, #tpu.memory_space<semaphore_mem>>) src(%dma_wait3A_280 : memref<128xi32, #tpu.memory_space<hbm>>) dst(%dma_wait3A_279 : memref<128xi32, #tpu.memory_space<vmem>>)
    %add3A_281 = arith.constant 61440 : i32
    %add3A_282 = arith.addi %add3A_281, %mul3A_2 : i32
    %dma_wait3A_283 = arith.constant 1920 : i32
    %dma_wait3A_284 = tpu.memref_slice %arg6[%dma_wait3A_283] : memref<2560xi32, #tpu.memory_space<vmem>> -> memref<128xi32, #tpu.memory_space<vmem>>
    %dma_wait3A_285 = tpu.memref_slice %arg2[%add3A_282] : memref<81920xi32, #tpu.memory_space<hbm>> -> memref<128xi32, #tpu.memory_space<hbm>>
    %dma_wait3A_286 = arith.constant 1920 : i32
    %dma_wait3A_287 = tpu.memref_slice %arg6[%dma_wait3A_286] : memref<2560xi32, #tpu.memory_space<vmem>> -> memref<128xi32, #tpu.memory_space<vmem>>
    %dma_wait3A_288 = tpu.memref_slice %arg2[%add3A_282] : memref<81920xi32, #tpu.memory_space<hbm>> -> memref<128xi32, #tpu.memory_space<hbm>>
    tpu.wait_dma2 semaphore(%arg20 : memref<!tpu.dma_semaphore, #tpu.memory_space<semaphore_mem>>) src(%dma_wait3A_288 : memref<128xi32, #tpu.memory_space<hbm>>) dst(%dma_wait3A_287 : memref<128xi32, #tpu.memory_space<vmem>>)
    %add3A_289 = arith.constant 65536 : i32
    %add3A_290 = arith.addi %add3A_289, %mul3A_2 : i32
    %dma_wait3A_291 = arith.constant 2048 : i32
    %dma_wait3A_292 = tpu.memref_slice %arg6[%dma_wait3A_291] : memref<2560xi32, #tpu.memory_space<vmem>> -> memref<128xi32, #tpu.memory_space<vmem>>
    %dma_wait3A_293 = tpu.memref_slice %arg2[%add3A_290] : memref<81920xi32, #tpu.memory_space<hbm>> -> memref<128xi32, #tpu.memory_space<hbm>>
    %dma_wait3A_294 = arith.constant 2048 : i32
    %dma_wait3A_295 = tpu.memref_slice %arg6[%dma_wait3A_294] : memref<2560xi32, #tpu.memory_space<vmem>> -> memref<128xi32, #tpu.memory_space<vmem>>
    %dma_wait3A_296 = tpu.memref_slice %arg2[%add3A_290] : memref<81920xi32, #tpu.memory_space<hbm>> -> memref<128xi32, #tpu.memory_space<hbm>>
    tpu.wait_dma2 semaphore(%arg20 : memref<!tpu.dma_semaphore, #tpu.memory_space<semaphore_mem>>) src(%dma_wait3A_296 : memref<128xi32, #tpu.memory_space<hbm>>) dst(%dma_wait3A_295 : memref<128xi32, #tpu.memory_space<vmem>>)
    %add3A_297 = arith.constant 69632 : i32
    %add3A_298 = arith.addi %add3A_297, %mul3A_2 : i32
    %dma_wait3A_299 = arith.constant 2176 : i32
    %dma_wait3A_300 = tpu.memref_slice %arg6[%dma_wait3A_299] : memref<2560xi32, #tpu.memory_space<vmem>> -> memref<128xi32, #tpu.memory_space<vmem>>
    %dma_wait3A_301 = tpu.memref_slice %arg2[%add3A_298] : memref<81920xi32, #tpu.memory_space<hbm>> -> memref<128xi32, #tpu.memory_space<hbm>>
    %dma_wait3A_302 = arith.constant 2176 : i32
    %dma_wait3A_303 = tpu.memref_slice %arg6[%dma_wait3A_302] : memref<2560xi32, #tpu.memory_space<vmem>> -> memref<128xi32, #tpu.memory_space<vmem>>
    %dma_wait3A_304 = tpu.memref_slice %arg2[%add3A_298] : memref<81920xi32, #tpu.memory_space<hbm>> -> memref<128xi32, #tpu.memory_space<hbm>>
    tpu.wait_dma2 semaphore(%arg20 : memref<!tpu.dma_semaphore, #tpu.memory_space<semaphore_mem>>) src(%dma_wait3A_304 : memref<128xi32, #tpu.memory_space<hbm>>) dst(%dma_wait3A_303 : memref<128xi32, #tpu.memory_space<vmem>>)
    %add3A_305 = arith.constant 73728 : i32
    %add3A_306 = arith.addi %add3A_305, %mul3A_2 : i32
    %dma_wait3A_307 = arith.constant 2304 : i32
    %dma_wait3A_308 = tpu.memref_slice %arg6[%dma_wait3A_307] : memref<2560xi32, #tpu.memory_space<vmem>> -> memref<128xi32, #tpu.memory_space<vmem>>
    %dma_wait3A_309 = tpu.memref_slice %arg2[%add3A_306] : memref<81920xi32, #tpu.memory_space<hbm>> -> memref<128xi32, #tpu.memory_space<hbm>>
    %dma_wait3A_310 = arith.constant 2304 : i32
    %dma_wait3A_311 = tpu.memref_slice %arg6[%dma_wait3A_310] : memref<2560xi32, #tpu.memory_space<vmem>> -> memref<128xi32, #tpu.memory_space<vmem>>
    %dma_wait3A_312 = tpu.memref_slice %arg2[%add3A_306] : memref<81920xi32, #tpu.memory_space<hbm>> -> memref<128xi32, #tpu.memory_space<hbm>>
    tpu.wait_dma2 semaphore(%arg20 : memref<!tpu.dma_semaphore, #tpu.memory_space<semaphore_mem>>) src(%dma_wait3A_312 : memref<128xi32, #tpu.memory_space<hbm>>) dst(%dma_wait3A_311 : memref<128xi32, #tpu.memory_space<vmem>>)
    %add3A_313 = arith.constant 77824 : i32
    %add3A_314 = arith.addi %add3A_313, %mul3A_2 : i32
    %dma_wait3A_315 = arith.constant 2432 : i32
    %dma_wait3A_316 = tpu.memref_slice %arg6[%dma_wait3A_315] : memref<2560xi32, #tpu.memory_space<vmem>> -> memref<128xi32, #tpu.memory_space<vmem>>
    %dma_wait3A_317 = tpu.memref_slice %arg2[%add3A_314] : memref<81920xi32, #tpu.memory_space<hbm>> -> memref<128xi32, #tpu.memory_space<hbm>>
    %dma_wait3A_318 = arith.constant 2432 : i32
    %dma_wait3A_319 = tpu.memref_slice %arg6[%dma_wait3A_318] : memref<2560xi32, #tpu.memory_space<vmem>> -> memref<128xi32, #tpu.memory_space<vmem>>
    %dma_wait3A_320 = tpu.memref_slice %arg2[%add3A_314] : memref<81920xi32, #tpu.memory_space<hbm>> -> memref<128xi32, #tpu.memory_space<hbm>>
    tpu.wait_dma2 semaphore(%arg20 : memref<!tpu.dma_semaphore, #tpu.memory_space<semaphore_mem>>) src(%dma_wait3A_320 : memref<128xi32, #tpu.memory_space<hbm>>) dst(%dma_wait3A_319 : memref<128xi32, #tpu.memory_space<vmem>>)
    "tpu.region"() ({
      %run_scoped3A = tpu.sem_alloc : memref<!tpu.dma_semaphore, #tpu.memory_space<semaphore_mem>>
      tpu.enqueue_dma source(%arg4 : memref<128x512xf32, #tpu.memory_space<hbm>>) target(%arg11 : memref<128x512xf32, #tpu.memory_space<vmem>>) target_semaphore(%run_scoped3A : memref<!tpu.dma_semaphore, #tpu.memory_space<semaphore_mem>>)
      tpu.wait_dma2 semaphore(%run_scoped3A : memref<!tpu.dma_semaphore, #tpu.memory_space<semaphore_mem>>) src(%arg4 : memref<128x512xf32, #tpu.memory_space<hbm>>) dst(%arg11 : memref<128x512xf32, #tpu.memory_space<vmem>>)
      tpu.yield
    }) : () -> ()
    %dma_start3A_321 = arith.constant 0 : i32
    %dma_start3A_322 = tpu.memref_slice %arg6[%dma_start3A_321] : memref<2560xi32, #tpu.memory_space<vmem>> -> memref<16xi32, #tpu.memory_space<vmem>>
    %dma_start3A_323 = arith.constant 0 : i32
    %dma_start3A_324 = arith.constant 0 : i32
    %dma_start3A_325 = tpu.memref_slice %arg3[%dma_start3A_323, %dma_start3A_324] : memref<49408x512xf32, #tpu.memory_space<hbm>> -> memref<49408x512xf32, #tpu.memory_space<hbm>>
    tpu.enqueue_indirect_dma source(%dma_start3A_325 : memref<49408x512xf32, #tpu.memory_space<hbm>>) target(%arg7 : memref<16x512xf32, #tpu.memory_space<vmem>>) offsets(%dma_start3A_322 : memref<16xi32, #tpu.memory_space<vmem>>) semaphore(%arg12 : memref<!tpu.dma_semaphore, #tpu.memory_space<semaphore_mem>>)
    %dma_start3A_326 = arith.constant 16 : i32
    %dma_start3A_327 = tpu.memref_slice %arg6[%dma_start3A_326] : memref<2560xi32, #tpu.memory_space<vmem>> -> memref<16xi32, #tpu.memory_space<vmem>>
    %dma_start3A_328 = arith.constant 0 : i32
    %dma_start3A_329 = arith.constant 0 : i32
    %dma_start3A_330 = tpu.memref_slice %arg3[%dma_start3A_328, %dma_start3A_329] : memref<49408x512xf32, #tpu.memory_space<hbm>> -> memref<49408x512xf32, #tpu.memory_space<hbm>>
    tpu.enqueue_indirect_dma source(%dma_start3A_330 : memref<49408x512xf32, #tpu.memory_space<hbm>>) target(%arg8 : memref<16x512xf32, #tpu.memory_space<vmem>>) offsets(%dma_start3A_327 : memref<16xi32, #tpu.memory_space<vmem>>) semaphore(%arg13 : memref<!tpu.dma_semaphore, #tpu.memory_space<semaphore_mem>>)
    %dma_start3A_331 = arith.constant 32 : i32
    %dma_start3A_332 = tpu.memref_slice %arg6[%dma_start3A_331] : memref<2560xi32, #tpu.memory_space<vmem>> -> memref<16xi32, #tpu.memory_space<vmem>>
    %dma_start3A_333 = arith.constant 0 : i32
    %dma_start3A_334 = arith.constant 0 : i32
    %dma_start3A_335 = tpu.memref_slice %arg3[%dma_start3A_333, %dma_start3A_334] : memref<49408x512xf32, #tpu.memory_space<hbm>> -> memref<49408x512xf32, #tpu.memory_space<hbm>>
    tpu.enqueue_indirect_dma source(%dma_start3A_335 : memref<49408x512xf32, #tpu.memory_space<hbm>>) target(%arg9 : memref<16x512xf32, #tpu.memory_space<vmem>>) offsets(%dma_start3A_332 : memref<16xi32, #tpu.memory_space<vmem>>) semaphore(%arg14 : memref<!tpu.dma_semaphore, #tpu.memory_space<semaphore_mem>>)
    %dma_start3A_336 = arith.constant 48 : i32
    %dma_start3A_337 = tpu.memref_slice %arg6[%dma_start3A_336] : memref<2560xi32, #tpu.memory_space<vmem>> -> memref<16xi32, #tpu.memory_space<vmem>>
    %dma_start3A_338 = arith.constant 0 : i32
    %dma_start3A_339 = arith.constant 0 : i32
    %dma_start3A_340 = tpu.memref_slice %arg3[%dma_start3A_338, %dma_start3A_339] : memref<49408x512xf32, #tpu.memory_space<hbm>> -> memref<49408x512xf32, #tpu.memory_space<hbm>>
    tpu.enqueue_indirect_dma source(%dma_start3A_340 : memref<49408x512xf32, #tpu.memory_space<hbm>>) target(%arg10 : memref<16x512xf32, #tpu.memory_space<vmem>>) offsets(%dma_start3A_337 : memref<16xi32, #tpu.memory_space<vmem>>) semaphore(%arg15 : memref<!tpu.dma_semaphore, #tpu.memory_space<semaphore_mem>>)
    %scan3A = arith.constant 0 : i32
    %scan3A_341 = arith.constant 0 : i32
    %scan3A_342 = arith.constant 40 : i32
    %scan3A_343 = arith.addi %scan3A_341, %scan3A_342 : i32
    %scan3A_344 = arith.constant 1 : i32
    scf.for %scan3A_398 = %scan3A_341 to %scan3A_343 step %scan3A_344  : i32 {
      %mul3A_399 = arith.constant 4 : i32
      %mul3A_400 = arith.muli %scan3A_398, %mul3A_399 : i32
      %add3A_401 = arith.constant 0 : i32
      %add3A_402 = arith.addi %mul3A_400, %add3A_401 : i32
      %jit3A_403 = arith.constant 8 : i32
      %div3A = arith.divsi %add3A_402, %jit3A_403 : i32
      %sign3A = arith.constant 0 : i32
      %sign3A_404 = arith.cmpi sgt, %add3A_402, %sign3A : i32
      %sign3A_405 = arith.extui %sign3A_404 : i1 to i32
      %sign3A_406 = arith.constant 0 : i32
      %sign3A_407 = arith.cmpi slt, %add3A_402, %sign3A_406 : i32
      %sign3A_408 = arith.extui %sign3A_407 : i1 to i32
      %sign3A_409 = arith.subi %sign3A_405, %sign3A_408 : i32
      %sign3A_410 = arith.constant 0 : i32
      %sign3A_411 = arith.cmpi sgt, %jit3A_403, %sign3A_410 : i32
      %sign3A_412 = arith.extui %sign3A_411 : i1 to i32
      %sign3A_413 = arith.constant 0 : i32
      %sign3A_414 = arith.cmpi slt, %jit3A_403, %sign3A_413 : i32
      %sign3A_415 = arith.extui %sign3A_414 : i1 to i32
      %sign3A_416 = arith.subi %sign3A_412, %sign3A_415 : i32
      %ne3A = arith.cmpi ne, %sign3A_409, %sign3A_416 : i32
      %rem3A = arith.remsi %add3A_402, %jit3A_403 : i32
      %ne3A_417 = arith.constant 0 : i32
      %ne3A_418 = arith.cmpi ne, %rem3A, %ne3A_417 : i32
      %and3A = arith.andi %ne3A, %ne3A_418 : i1
      %sub3A = arith.constant 1 : i32
      %sub3A_419 = arith.subi %div3A, %sub3A : i32
      %select_n3A_420 = arith.select %and3A, %sub3A_419, %div3A : i32
      %jit3A_421 = arith.constant 8 : i32
      %eq3A = arith.constant 0 : i32
      %eq3A_422 = arith.cmpi eq, %jit3A_421, %eq3A : i32
      %jit3A_423 = arith.constant 1 : i32
      %select_n3A_424 = arith.select %eq3A_422, %jit3A_423, %jit3A_421 : i32
      %rem3A_425 = arith.remsi %add3A_402, %select_n3A_424 : i32
      %ne3A_426 = arith.constant 0 : i32
      %ne3A_427 = arith.cmpi ne, %rem3A_425, %ne3A_426 : i32
      %lt3A = arith.constant 0 : i32
      %lt3A_428 = arith.cmpi slt, %rem3A_425, %lt3A : i32
      %lt3A_429 = arith.constant 0 : i32
      %lt3A_430 = arith.cmpi slt, %select_n3A_424, %lt3A_429 : i32
      %ne3A_431 = arith.xori %lt3A_428, %lt3A_430 : i1
      %and3A_432 = arith.andi %ne3A_431, %ne3A_427 : i1
      %add3A_433 = arith.addi %rem3A_425, %select_n3A_424 : i32
      %select_n3A_434 = arith.select %and3A_432, %add3A_433, %rem3A_425 : i32
      %mul3A_435 = arith.constant 128 : i32
      %mul3A_436 = arith.muli %select_n3A_420, %mul3A_435 : i32
      %mul3A_437 = arith.constant 16 : i32
      %mul3A_438 = arith.muli %select_n3A_434, %mul3A_437 : i32
      %add3A_439 = arith.addi %mul3A_436, %mul3A_438 : i32
      %dma_wait3A_440 = tpu.memref_slice %arg6[%add3A_439] : memref<2560xi32, #tpu.memory_space<vmem>> -> memref<16xi32, #tpu.memory_space<vmem>>
      %dma_wait3A_441 = arith.constant 0 : i32
      %dma_wait3A_442 = arith.constant 0 : i32
      %dma_wait3A_443 = tpu.memref_slice %arg3[%dma_wait3A_441, %dma_wait3A_442] : memref<49408x512xf32, #tpu.memory_space<hbm>> -> memref<49408x512xf32, #tpu.memory_space<hbm>>
      tpu.wait_indirect_dma semaphore(%arg12 : memref<!tpu.dma_semaphore, #tpu.memory_space<semaphore_mem>>) src(%dma_wait3A_443 : memref<49408x512xf32, #tpu.memory_space<hbm>>) dst(%arg7 : memref<16x512xf32, #tpu.memory_space<vmem>>)
      %jit3A_444 = arith.constant 8 : i32
      %div3A_445 = arith.divsi %add3A_402, %jit3A_444 : i32
      %sign3A_446 = arith.constant 0 : i32
      %sign3A_447 = arith.cmpi sgt, %add3A_402, %sign3A_446 : i32
      %sign3A_448 = arith.extui %sign3A_447 : i1 to i32
      %sign3A_449 = arith.constant 0 : i32
      %sign3A_450 = arith.cmpi slt, %add3A_402, %sign3A_449 : i32
      %sign3A_451 = arith.extui %sign3A_450 : i1 to i32
      %sign3A_452 = arith.subi %sign3A_448, %sign3A_451 : i32
      %sign3A_453 = arith.constant 0 : i32
      %sign3A_454 = arith.cmpi sgt, %jit3A_444, %sign3A_453 : i32
      %sign3A_455 = arith.extui %sign3A_454 : i1 to i32
      %sign3A_456 = arith.constant 0 : i32
      %sign3A_457 = arith.cmpi slt, %jit3A_444, %sign3A_456 : i32
      %sign3A_458 = arith.extui %sign3A_457 : i1 to i32
      %sign3A_459 = arith.subi %sign3A_455, %sign3A_458 : i32
      %ne3A_460 = arith.cmpi ne, %sign3A_452, %sign3A_459 : i32
      %rem3A_461 = arith.remsi %add3A_402, %jit3A_444 : i32
      %ne3A_462 = arith.constant 0 : i32
      %ne3A_463 = arith.cmpi ne, %rem3A_461, %ne3A_462 : i32
      %and3A_464 = arith.andi %ne3A_460, %ne3A_463 : i1
      %sub3A_465 = arith.constant 1 : i32
      %sub3A_466 = arith.subi %div3A_445, %sub3A_465 : i32
      %select_n3A_467 = arith.select %and3A_464, %sub3A_466, %div3A_445 : i32
      %jit3A_468 = arith.constant 8 : i32
      %eq3A_469 = arith.constant 0 : i32
      %eq3A_470 = arith.cmpi eq, %jit3A_468, %eq3A_469 : i32
      %jit3A_471 = arith.constant 1 : i32
      %select_n3A_472 = arith.select %eq3A_470, %jit3A_471, %jit3A_468 : i32
      %rem3A_473 = arith.remsi %add3A_402, %select_n3A_472 : i32
      %ne3A_474 = arith.constant 0 : i32
      %ne3A_475 = arith.cmpi ne, %rem3A_473, %ne3A_474 : i32
      %lt3A_476 = arith.constant 0 : i32
      %lt3A_477 = arith.cmpi slt, %rem3A_473, %lt3A_476 : i32
      %lt3A_478 = arith.constant 0 : i32
      %lt3A_479 = arith.cmpi slt, %select_n3A_472, %lt3A_478 : i32
      %ne3A_480 = arith.xori %lt3A_477, %lt3A_479 : i1
      %and3A_481 = arith.andi %ne3A_480, %ne3A_475 : i1
      %add3A_482 = arith.addi %rem3A_473, %select_n3A_472 : i32
      %select_n3A_483 = arith.select %and3A_481, %add3A_482, %rem3A_473 : i32
      %eq3A_484 = arith.constant 0 : i32
      %eq3A_485 = arith.cmpi eq, %select_n3A_467, %eq3A_484 : i32
      %add3A_486 = arith.constant 16 : i32
      %add3A_487 = arith.addi %select_n3A_467, %add3A_486 : i32
      %jit3A_488 = arith.constant 0 : i32
      %select_n3A_489 = arith.select %eq3A_485, %jit3A_488, %add3A_487 : i32
      %mul3A_490 = arith.constant 16 : i32
      %mul3A_491 = arith.muli %select_n3A_483, %mul3A_490 : i32
      %add3A_492 = arith.addi %mul3A_2, %mul3A_491 : i32
      %dma_start3A_493 = arith.constant 0 : i32
      %dma_start3A_494 = tpu.memref_slice %arg5[%select_n3A_489, %add3A_492, %dma_start3A_493] : memref<36x4096x512xf32, #tpu.memory_space<hbm>> -> memref<1x16x512xf32, #tpu.memory_space<hbm>>
      %dma_start3A_495 = tpu.memref_squeeze %dma_start3A_494 : memref<1x16x512xf32, #tpu.memory_space<hbm>> -> memref<16x512xf32, #tpu.memory_space<hbm>>
      %dma_start3A_496 = arith.constant 0 : i32
      %dma_start3A_497 = tpu.memref_slice %arg5[%select_n3A_489, %add3A_492, %dma_start3A_496] : memref<36x4096x512xf32, #tpu.memory_space<hbm>> -> memref<1x16x512xf32, #tpu.memory_space<hbm>>
      %dma_start3A_498 = tpu.memref_squeeze %dma_start3A_497 : memref<1x16x512xf32, #tpu.memory_space<hbm>> -> memref<16x512xf32, #tpu.memory_space<hbm>>
      tpu.enqueue_dma source(%arg7 : memref<16x512xf32, #tpu.memory_space<vmem>>) target(%dma_start3A_498 : memref<16x512xf32, #tpu.memory_space<hbm>>) target_semaphore(%arg16 : memref<!tpu.dma_semaphore, #tpu.memory_space<semaphore_mem>>)
      %add3A_499 = arith.constant 1 : i32
      %add3A_500 = arith.addi %mul3A_400, %add3A_499 : i32
      %jit3A_501 = arith.constant 8 : i32
      %div3A_502 = arith.divsi %add3A_500, %jit3A_501 : i32
      %sign3A_503 = arith.constant 0 : i32
      %sign3A_504 = arith.cmpi sgt, %add3A_500, %sign3A_503 : i32
      %sign3A_505 = arith.extui %sign3A_504 : i1 to i32
      %sign3A_506 = arith.constant 0 : i32
      %sign3A_507 = arith.cmpi slt, %add3A_500, %sign3A_506 : i32
      %sign3A_508 = arith.extui %sign3A_507 : i1 to i32
      %sign3A_509 = arith.subi %sign3A_505, %sign3A_508 : i32
      %sign3A_510 = arith.constant 0 : i32
      %sign3A_511 = arith.cmpi sgt, %jit3A_501, %sign3A_510 : i32
      %sign3A_512 = arith.extui %sign3A_511 : i1 to i32
      %sign3A_513 = arith.constant 0 : i32
      %sign3A_514 = arith.cmpi slt, %jit3A_501, %sign3A_513 : i32
      %sign3A_515 = arith.extui %sign3A_514 : i1 to i32
      %sign3A_516 = arith.subi %sign3A_512, %sign3A_515 : i32
      %ne3A_517 = arith.cmpi ne, %sign3A_509, %sign3A_516 : i32
      %rem3A_518 = arith.remsi %add3A_500, %jit3A_501 : i32
      %ne3A_519 = arith.constant 0 : i32
      %ne3A_520 = arith.cmpi ne, %rem3A_518, %ne3A_519 : i32
      %and3A_521 = arith.andi %ne3A_517, %ne3A_520 : i1
      %sub3A_522 = arith.constant 1 : i32
      %sub3A_523 = arith.subi %div3A_502, %sub3A_522 : i32
      %select_n3A_524 = arith.select %and3A_521, %sub3A_523, %div3A_502 : i32
      %jit3A_525 = arith.constant 8 : i32
      %eq3A_526 = arith.constant 0 : i32
      %eq3A_527 = arith.cmpi eq, %jit3A_525, %eq3A_526 : i32
      %jit3A_528 = arith.constant 1 : i32
      %select_n3A_529 = arith.select %eq3A_527, %jit3A_528, %jit3A_525 : i32
      %rem3A_530 = arith.remsi %add3A_500, %select_n3A_529 : i32
      %ne3A_531 = arith.constant 0 : i32
      %ne3A_532 = arith.cmpi ne, %rem3A_530, %ne3A_531 : i32
      %lt3A_533 = arith.constant 0 : i32
      %lt3A_534 = arith.cmpi slt, %rem3A_530, %lt3A_533 : i32
      %lt3A_535 = arith.constant 0 : i32
      %lt3A_536 = arith.cmpi slt, %select_n3A_529, %lt3A_535 : i32
      %ne3A_537 = arith.xori %lt3A_534, %lt3A_536 : i1
      %and3A_538 = arith.andi %ne3A_537, %ne3A_532 : i1
      %add3A_539 = arith.addi %rem3A_530, %select_n3A_529 : i32
      %select_n3A_540 = arith.select %and3A_538, %add3A_539, %rem3A_530 : i32
      %mul3A_541 = arith.constant 128 : i32
      %mul3A_542 = arith.muli %select_n3A_524, %mul3A_541 : i32
      %mul3A_543 = arith.constant 16 : i32
      %mul3A_544 = arith.muli %select_n3A_540, %mul3A_543 : i32
      %add3A_545 = arith.addi %mul3A_542, %mul3A_544 : i32
      %dma_wait3A_546 = tpu.memref_slice %arg6[%add3A_545] : memref<2560xi32, #tpu.memory_space<vmem>> -> memref<16xi32, #tpu.memory_space<vmem>>
      %dma_wait3A_547 = arith.constant 0 : i32
      %dma_wait3A_548 = arith.constant 0 : i32
      %dma_wait3A_549 = tpu.memref_slice %arg3[%dma_wait3A_547, %dma_wait3A_548] : memref<49408x512xf32, #tpu.memory_space<hbm>> -> memref<49408x512xf32, #tpu.memory_space<hbm>>
      tpu.wait_indirect_dma semaphore(%arg13 : memref<!tpu.dma_semaphore, #tpu.memory_space<semaphore_mem>>) src(%dma_wait3A_549 : memref<49408x512xf32, #tpu.memory_space<hbm>>) dst(%arg8 : memref<16x512xf32, #tpu.memory_space<vmem>>)
      %jit3A_550 = arith.constant 8 : i32
      %div3A_551 = arith.divsi %add3A_500, %jit3A_550 : i32
      %sign3A_552 = arith.constant 0 : i32
      %sign3A_553 = arith.cmpi sgt, %add3A_500, %sign3A_552 : i32
      %sign3A_554 = arith.extui %sign3A_553 : i1 to i32
      %sign3A_555 = arith.constant 0 : i32
      %sign3A_556 = arith.cmpi slt, %add3A_500, %sign3A_555 : i32
      %sign3A_557 = arith.extui %sign3A_556 : i1 to i32
      %sign3A_558 = arith.subi %sign3A_554, %sign3A_557 : i32
      %sign3A_559 = arith.constant 0 : i32
      %sign3A_560 = arith.cmpi sgt, %jit3A_550, %sign3A_559 : i32
      %sign3A_561 = arith.extui %sign3A_560 : i1 to i32
      %sign3A_562 = arith.constant 0 : i32
      %sign3A_563 = arith.cmpi slt, %jit3A_550, %sign3A_562 : i32
      %sign3A_564 = arith.extui %sign3A_563 : i1 to i32
      %sign3A_565 = arith.subi %sign3A_561, %sign3A_564 : i32
      %ne3A_566 = arith.cmpi ne, %sign3A_558, %sign3A_565 : i32
      %rem3A_567 = arith.remsi %add3A_500, %jit3A_550 : i32
      %ne3A_568 = arith.constant 0 : i32
      %ne3A_569 = arith.cmpi ne, %rem3A_567, %ne3A_568 : i32
      %and3A_570 = arith.andi %ne3A_566, %ne3A_569 : i1
      %sub3A_571 = arith.constant 1 : i32
      %sub3A_572 = arith.subi %div3A_551, %sub3A_571 : i32
      %select_n3A_573 = arith.select %and3A_570, %sub3A_572, %div3A_551 : i32
      %jit3A_574 = arith.constant 8 : i32
      %eq3A_575 = arith.constant 0 : i32
      %eq3A_576 = arith.cmpi eq, %jit3A_574, %eq3A_575 : i32
      %jit3A_577 = arith.constant 1 : i32
      %select_n3A_578 = arith.select %eq3A_576, %jit3A_577, %jit3A_574 : i32
      %rem3A_579 = arith.remsi %add3A_500, %select_n3A_578 : i32
      %ne3A_580 = arith.constant 0 : i32
      %ne3A_581 = arith.cmpi ne, %rem3A_579, %ne3A_580 : i32
      %lt3A_582 = arith.constant 0 : i32
      %lt3A_583 = arith.cmpi slt, %rem3A_579, %lt3A_582 : i32
      %lt3A_584 = arith.constant 0 : i32
      %lt3A_585 = arith.cmpi slt, %select_n3A_578, %lt3A_584 : i32
      %ne3A_586 = arith.xori %lt3A_583, %lt3A_585 : i1
      %and3A_587 = arith.andi %ne3A_586, %ne3A_581 : i1
      %add3A_588 = arith.addi %rem3A_579, %select_n3A_578 : i32
      %select_n3A_589 = arith.select %and3A_587, %add3A_588, %rem3A_579 : i32
      %eq3A_590 = arith.constant 0 : i32
      %eq3A_591 = arith.cmpi eq, %select_n3A_573, %eq3A_590 : i32
      %add3A_592 = arith.constant 16 : i32
      %add3A_593 = arith.addi %select_n3A_573, %add3A_592 : i32
      %jit3A_594 = arith.constant 0 : i32
      %select_n3A_595 = arith.select %eq3A_591, %jit3A_594, %add3A_593 : i32
      %mul3A_596 = arith.constant 16 : i32
      %mul3A_597 = arith.muli %select_n3A_589, %mul3A_596 : i32
      %add3A_598 = arith.addi %mul3A_2, %mul3A_597 : i32
      %dma_start3A_599 = arith.constant 0 : i32
      %dma_start3A_600 = tpu.memref_slice %arg5[%select_n3A_595, %add3A_598, %dma_start3A_599] : memref<36x4096x512xf32, #tpu.memory_space<hbm>> -> memref<1x16x512xf32, #tpu.memory_space<hbm>>
      %dma_start3A_601 = tpu.memref_squeeze %dma_start3A_600 : memref<1x16x512xf32, #tpu.memory_space<hbm>> -> memref<16x512xf32, #tpu.memory_space<hbm>>
      %dma_start3A_602 = arith.constant 0 : i32
      %dma_start3A_603 = tpu.memref_slice %arg5[%select_n3A_595, %add3A_598, %dma_start3A_602] : memref<36x4096x512xf32, #tpu.memory_space<hbm>> -> memref<1x16x512xf32, #tpu.memory_space<hbm>>
      %dma_start3A_604 = tpu.memref_squeeze %dma_start3A_603 : memref<1x16x512xf32, #tpu.memory_space<hbm>> -> memref<16x512xf32, #tpu.memory_space<hbm>>
      tpu.enqueue_dma source(%arg8 : memref<16x512xf32, #tpu.memory_space<vmem>>) target(%dma_start3A_604 : memref<16x512xf32, #tpu.memory_space<hbm>>) target_semaphore(%arg17 : memref<!tpu.dma_semaphore, #tpu.memory_space<semaphore_mem>>)
      %add3A_605 = arith.constant 2 : i32
      %add3A_606 = arith.addi %mul3A_400, %add3A_605 : i32
      %jit3A_607 = arith.constant 8 : i32
      %div3A_608 = arith.divsi %add3A_606, %jit3A_607 : i32
      %sign3A_609 = arith.constant 0 : i32
      %sign3A_610 = arith.cmpi sgt, %add3A_606, %sign3A_609 : i32
      %sign3A_611 = arith.extui %sign3A_610 : i1 to i32
      %sign3A_612 = arith.constant 0 : i32
      %sign3A_613 = arith.cmpi slt, %add3A_606, %sign3A_612 : i32
      %sign3A_614 = arith.extui %sign3A_613 : i1 to i32
      %sign3A_615 = arith.subi %sign3A_611, %sign3A_614 : i32
      %sign3A_616 = arith.constant 0 : i32
      %sign3A_617 = arith.cmpi sgt, %jit3A_607, %sign3A_616 : i32
      %sign3A_618 = arith.extui %sign3A_617 : i1 to i32
      %sign3A_619 = arith.constant 0 : i32
      %sign3A_620 = arith.cmpi slt, %jit3A_607, %sign3A_619 : i32
      %sign3A_621 = arith.extui %sign3A_620 : i1 to i32
      %sign3A_622 = arith.subi %sign3A_618, %sign3A_621 : i32
      %ne3A_623 = arith.cmpi ne, %sign3A_615, %sign3A_622 : i32
      %rem3A_624 = arith.remsi %add3A_606, %jit3A_607 : i32
      %ne3A_625 = arith.constant 0 : i32
      %ne3A_626 = arith.cmpi ne, %rem3A_624, %ne3A_625 : i32
      %and3A_627 = arith.andi %ne3A_623, %ne3A_626 : i1
      %sub3A_628 = arith.constant 1 : i32
      %sub3A_629 = arith.subi %div3A_608, %sub3A_628 : i32
      %select_n3A_630 = arith.select %and3A_627, %sub3A_629, %div3A_608 : i32
      %jit3A_631 = arith.constant 8 : i32
      %eq3A_632 = arith.constant 0 : i32
      %eq3A_633 = arith.cmpi eq, %jit3A_631, %eq3A_632 : i32
      %jit3A_634 = arith.constant 1 : i32
      %select_n3A_635 = arith.select %eq3A_633, %jit3A_634, %jit3A_631 : i32
      %rem3A_636 = arith.remsi %add3A_606, %select_n3A_635 : i32
      %ne3A_637 = arith.constant 0 : i32
      %ne3A_638 = arith.cmpi ne, %rem3A_636, %ne3A_637 : i32
      %lt3A_639 = arith.constant 0 : i32
      %lt3A_640 = arith.cmpi slt, %rem3A_636, %lt3A_639 : i32
      %lt3A_641 = arith.constant 0 : i32
      %lt3A_642 = arith.cmpi slt, %select_n3A_635, %lt3A_641 : i32
      %ne3A_643 = arith.xori %lt3A_640, %lt3A_642 : i1
      %and3A_644 = arith.andi %ne3A_643, %ne3A_638 : i1
      %add3A_645 = arith.addi %rem3A_636, %select_n3A_635 : i32
      %select_n3A_646 = arith.select %and3A_644, %add3A_645, %rem3A_636 : i32
      %mul3A_647 = arith.constant 128 : i32
      %mul3A_648 = arith.muli %select_n3A_630, %mul3A_647 : i32
      %mul3A_649 = arith.constant 16 : i32
      %mul3A_650 = arith.muli %select_n3A_646, %mul3A_649 : i32
      %add3A_651 = arith.addi %mul3A_648, %mul3A_650 : i32
      %dma_wait3A_652 = tpu.memref_slice %arg6[%add3A_651] : memref<2560xi32, #tpu.memory_space<vmem>> -> memref<16xi32, #tpu.memory_space<vmem>>
      %dma_wait3A_653 = arith.constant 0 : i32
      %dma_wait3A_654 = arith.constant 0 : i32
      %dma_wait3A_655 = tpu.memref_slice %arg3[%dma_wait3A_653, %dma_wait3A_654] : memref<49408x512xf32, #tpu.memory_space<hbm>> -> memref<49408x512xf32, #tpu.memory_space<hbm>>
      tpu.wait_indirect_dma semaphore(%arg14 : memref<!tpu.dma_semaphore, #tpu.memory_space<semaphore_mem>>) src(%dma_wait3A_655 : memref<49408x512xf32, #tpu.memory_space<hbm>>) dst(%arg9 : memref<16x512xf32, #tpu.memory_space<vmem>>)
      %jit3A_656 = arith.constant 8 : i32
      %div3A_657 = arith.divsi %add3A_606, %jit3A_656 : i32
      %sign3A_658 = arith.constant 0 : i32
      %sign3A_659 = arith.cmpi sgt, %add3A_606, %sign3A_658 : i32
      %sign3A_660 = arith.extui %sign3A_659 : i1 to i32
      %sign3A_661 = arith.constant 0 : i32
      %sign3A_662 = arith.cmpi slt, %add3A_606, %sign3A_661 : i32
      %sign3A_663 = arith.extui %sign3A_662 : i1 to i32
      %sign3A_664 = arith.subi %sign3A_660, %sign3A_663 : i32
      %sign3A_665 = arith.constant 0 : i32
      %sign3A_666 = arith.cmpi sgt, %jit3A_656, %sign3A_665 : i32
      %sign3A_667 = arith.extui %sign3A_666 : i1 to i32
      %sign3A_668 = arith.constant 0 : i32
      %sign3A_669 = arith.cmpi slt, %jit3A_656, %sign3A_668 : i32
      %sign3A_670 = arith.extui %sign3A_669 : i1 to i32
      %sign3A_671 = arith.subi %sign3A_667, %sign3A_670 : i32
      %ne3A_672 = arith.cmpi ne, %sign3A_664, %sign3A_671 : i32
      %rem3A_673 = arith.remsi %add3A_606, %jit3A_656 : i32
      %ne3A_674 = arith.constant 0 : i32
      %ne3A_675 = arith.cmpi ne, %rem3A_673, %ne3A_674 : i32
      %and3A_676 = arith.andi %ne3A_672, %ne3A_675 : i1
      %sub3A_677 = arith.constant 1 : i32
      %sub3A_678 = arith.subi %div3A_657, %sub3A_677 : i32
      %select_n3A_679 = arith.select %and3A_676, %sub3A_678, %div3A_657 : i32
      %jit3A_680 = arith.constant 8 : i32
      %eq3A_681 = arith.constant 0 : i32
      %eq3A_682 = arith.cmpi eq, %jit3A_680, %eq3A_681 : i32
      %jit3A_683 = arith.constant 1 : i32
      %select_n3A_684 = arith.select %eq3A_682, %jit3A_683, %jit3A_680 : i32
      %rem3A_685 = arith.remsi %add3A_606, %select_n3A_684 : i32
      %ne3A_686 = arith.constant 0 : i32
      %ne3A_687 = arith.cmpi ne, %rem3A_685, %ne3A_686 : i32
      %lt3A_688 = arith.constant 0 : i32
      %lt3A_689 = arith.cmpi slt, %rem3A_685, %lt3A_688 : i32
      %lt3A_690 = arith.constant 0 : i32
      %lt3A_691 = arith.cmpi slt, %select_n3A_684, %lt3A_690 : i32
      %ne3A_692 = arith.xori %lt3A_689, %lt3A_691 : i1
      %and3A_693 = arith.andi %ne3A_692, %ne3A_687 : i1
      %add3A_694 = arith.addi %rem3A_685, %select_n3A_684 : i32
      %select_n3A_695 = arith.select %and3A_693, %add3A_694, %rem3A_685 : i32
      %eq3A_696 = arith.constant 0 : i32
      %eq3A_697 = arith.cmpi eq, %select_n3A_679, %eq3A_696 : i32
      %add3A_698 = arith.constant 16 : i32
      %add3A_699 = arith.addi %select_n3A_679, %add3A_698 : i32
      %jit3A_700 = arith.constant 0 : i32
      %select_n3A_701 = arith.select %eq3A_697, %jit3A_700, %add3A_699 : i32
      %mul3A_702 = arith.constant 16 : i32
      %mul3A_703 = arith.muli %select_n3A_695, %mul3A_702 : i32
      %add3A_704 = arith.addi %mul3A_2, %mul3A_703 : i32
      %dma_start3A_705 = arith.constant 0 : i32
      %dma_start3A_706 = tpu.memref_slice %arg5[%select_n3A_701, %add3A_704, %dma_start3A_705] : memref<36x4096x512xf32, #tpu.memory_space<hbm>> -> memref<1x16x512xf32, #tpu.memory_space<hbm>>
      %dma_start3A_707 = tpu.memref_squeeze %dma_start3A_706 : memref<1x16x512xf32, #tpu.memory_space<hbm>> -> memref<16x512xf32, #tpu.memory_space<hbm>>
      %dma_start3A_708 = arith.constant 0 : i32
      %dma_start3A_709 = tpu.memref_slice %arg5[%select_n3A_701, %add3A_704, %dma_start3A_708] : memref<36x4096x512xf32, #tpu.memory_space<hbm>> -> memref<1x16x512xf32, #tpu.memory_space<hbm>>
      %dma_start3A_710 = tpu.memref_squeeze %dma_start3A_709 : memref<1x16x512xf32, #tpu.memory_space<hbm>> -> memref<16x512xf32, #tpu.memory_space<hbm>>
      tpu.enqueue_dma source(%arg9 : memref<16x512xf32, #tpu.memory_space<vmem>>) target(%dma_start3A_710 : memref<16x512xf32, #tpu.memory_space<hbm>>) target_semaphore(%arg18 : memref<!tpu.dma_semaphore, #tpu.memory_space<semaphore_mem>>)
      %add3A_711 = arith.constant 3 : i32
      %add3A_712 = arith.addi %mul3A_400, %add3A_711 : i32
      %jit3A_713 = arith.constant 8 : i32
      %div3A_714 = arith.divsi %add3A_712, %jit3A_713 : i32
      %sign3A_715 = arith.constant 0 : i32
      %sign3A_716 = arith.cmpi sgt, %add3A_712, %sign3A_715 : i32
      %sign3A_717 = arith.extui %sign3A_716 : i1 to i32
      %sign3A_718 = arith.constant 0 : i32
      %sign3A_719 = arith.cmpi slt, %add3A_712, %sign3A_718 : i32
      %sign3A_720 = arith.extui %sign3A_719 : i1 to i32
      %sign3A_721 = arith.subi %sign3A_717, %sign3A_720 : i32
      %sign3A_722 = arith.constant 0 : i32
      %sign3A_723 = arith.cmpi sgt, %jit3A_713, %sign3A_722 : i32
      %sign3A_724 = arith.extui %sign3A_723 : i1 to i32
      %sign3A_725 = arith.constant 0 : i32
      %sign3A_726 = arith.cmpi slt, %jit3A_713, %sign3A_725 : i32
      %sign3A_727 = arith.extui %sign3A_726 : i1 to i32
      %sign3A_728 = arith.subi %sign3A_724, %sign3A_727 : i32
      %ne3A_729 = arith.cmpi ne, %sign3A_721, %sign3A_728 : i32
      %rem3A_730 = arith.remsi %add3A_712, %jit3A_713 : i32
      %ne3A_731 = arith.constant 0 : i32
      %ne3A_732 = arith.cmpi ne, %rem3A_730, %ne3A_731 : i32
      %and3A_733 = arith.andi %ne3A_729, %ne3A_732 : i1
      %sub3A_734 = arith.constant 1 : i32
      %sub3A_735 = arith.subi %div3A_714, %sub3A_734 : i32
      %select_n3A_736 = arith.select %and3A_733, %sub3A_735, %div3A_714 : i32
      %jit3A_737 = arith.constant 8 : i32
      %eq3A_738 = arith.constant 0 : i32
      %eq3A_739 = arith.cmpi eq, %jit3A_737, %eq3A_738 : i32
      %jit3A_740 = arith.constant 1 : i32
      %select_n3A_741 = arith.select %eq3A_739, %jit3A_740, %jit3A_737 : i32
      %rem3A_742 = arith.remsi %add3A_712, %select_n3A_741 : i32
      %ne3A_743 = arith.constant 0 : i32
      %ne3A_744 = arith.cmpi ne, %rem3A_742, %ne3A_743 : i32
      %lt3A_745 = arith.constant 0 : i32
      %lt3A_746 = arith.cmpi slt, %rem3A_742, %lt3A_745 : i32
      %lt3A_747 = arith.constant 0 : i32
      %lt3A_748 = arith.cmpi slt, %select_n3A_741, %lt3A_747 : i32
      %ne3A_749 = arith.xori %lt3A_746, %lt3A_748 : i1
      %and3A_750 = arith.andi %ne3A_749, %ne3A_744 : i1
      %add3A_751 = arith.addi %rem3A_742, %select_n3A_741 : i32
      %select_n3A_752 = arith.select %and3A_750, %add3A_751, %rem3A_742 : i32
      %mul3A_753 = arith.constant 128 : i32
      %mul3A_754 = arith.muli %select_n3A_736, %mul3A_753 : i32
      %mul3A_755 = arith.constant 16 : i32
      %mul3A_756 = arith.muli %select_n3A_752, %mul3A_755 : i32
      %add3A_757 = arith.addi %mul3A_754, %mul3A_756 : i32
      %dma_wait3A_758 = tpu.memref_slice %arg6[%add3A_757] : memref<2560xi32, #tpu.memory_space<vmem>> -> memref<16xi32, #tpu.memory_space<vmem>>
      %dma_wait3A_759 = arith.constant 0 : i32
      %dma_wait3A_760 = arith.constant 0 : i32
      %dma_wait3A_761 = tpu.memref_slice %arg3[%dma_wait3A_759, %dma_wait3A_760] : memref<49408x512xf32, #tpu.memory_space<hbm>> -> memref<49408x512xf32, #tpu.memory_space<hbm>>
      tpu.wait_indirect_dma semaphore(%arg15 : memref<!tpu.dma_semaphore, #tpu.memory_space<semaphore_mem>>) src(%dma_wait3A_761 : memref<49408x512xf32, #tpu.memory_space<hbm>>) dst(%arg10 : memref<16x512xf32, #tpu.memory_space<vmem>>)
      %jit3A_762 = arith.constant 8 : i32
      %div3A_763 = arith.divsi %add3A_712, %jit3A_762 : i32
      %sign3A_764 = arith.constant 0 : i32
      %sign3A_765 = arith.cmpi sgt, %add3A_712, %sign3A_764 : i32
      %sign3A_766 = arith.extui %sign3A_765 : i1 to i32
      %sign3A_767 = arith.constant 0 : i32
      %sign3A_768 = arith.cmpi slt, %add3A_712, %sign3A_767 : i32
      %sign3A_769 = arith.extui %sign3A_768 : i1 to i32
      %sign3A_770 = arith.subi %sign3A_766, %sign3A_769 : i32
      %sign3A_771 = arith.constant 0 : i32
      %sign3A_772 = arith.cmpi sgt, %jit3A_762, %sign3A_771 : i32
      %sign3A_773 = arith.extui %sign3A_772 : i1 to i32
      %sign3A_774 = arith.constant 0 : i32
      %sign3A_775 = arith.cmpi slt, %jit3A_762, %sign3A_774 : i32
      %sign3A_776 = arith.extui %sign3A_775 : i1 to i32
      %sign3A_777 = arith.subi %sign3A_773, %sign3A_776 : i32
      %ne3A_778 = arith.cmpi ne, %sign3A_770, %sign3A_777 : i32
      %rem3A_779 = arith.remsi %add3A_712, %jit3A_762 : i32
      %ne3A_780 = arith.constant 0 : i32
      %ne3A_781 = arith.cmpi ne, %rem3A_779, %ne3A_780 : i32
      %and3A_782 = arith.andi %ne3A_778, %ne3A_781 : i1
      %sub3A_783 = arith.constant 1 : i32
      %sub3A_784 = arith.subi %div3A_763, %sub3A_783 : i32
      %select_n3A_785 = arith.select %and3A_782, %sub3A_784, %div3A_763 : i32
      %jit3A_786 = arith.constant 8 : i32
      %eq3A_787 = arith.constant 0 : i32
      %eq3A_788 = arith.cmpi eq, %jit3A_786, %eq3A_787 : i32
      %jit3A_789 = arith.constant 1 : i32
      %select_n3A_790 = arith.select %eq3A_788, %jit3A_789, %jit3A_786 : i32
      %rem3A_791 = arith.remsi %add3A_712, %select_n3A_790 : i32
      %ne3A_792 = arith.constant 0 : i32
      %ne3A_793 = arith.cmpi ne, %rem3A_791, %ne3A_792 : i32
      %lt3A_794 = arith.constant 0 : i32
      %lt3A_795 = arith.cmpi slt, %rem3A_791, %lt3A_794 : i32
      %lt3A_796 = arith.constant 0 : i32
      %lt3A_797 = arith.cmpi slt, %select_n3A_790, %lt3A_796 : i32
      %ne3A_798 = arith.xori %lt3A_795, %lt3A_797 : i1
      %and3A_799 = arith.andi %ne3A_798, %ne3A_793 : i1
      %add3A_800 = arith.addi %rem3A_791, %select_n3A_790 : i32
      %select_n3A_801 = arith.select %and3A_799, %add3A_800, %rem3A_791 : i32
      %eq3A_802 = arith.constant 0 : i32
      %eq3A_803 = arith.cmpi eq, %select_n3A_785, %eq3A_802 : i32
      %add3A_804 = arith.constant 16 : i32
      %add3A_805 = arith.addi %select_n3A_785, %add3A_804 : i32
      %jit3A_806 = arith.constant 0 : i32
      %select_n3A_807 = arith.select %eq3A_803, %jit3A_806, %add3A_805 : i32
      %mul3A_808 = arith.constant 16 : i32
      %mul3A_809 = arith.muli %select_n3A_801, %mul3A_808 : i32
      %add3A_810 = arith.addi %mul3A_2, %mul3A_809 : i32
      %dma_start3A_811 = arith.constant 0 : i32
      %dma_start3A_812 = tpu.memref_slice %arg5[%select_n3A_807, %add3A_810, %dma_start3A_811] : memref<36x4096x512xf32, #tpu.memory_space<hbm>> -> memref<1x16x512xf32, #tpu.memory_space<hbm>>
      %dma_start3A_813 = tpu.memref_squeeze %dma_start3A_812 : memref<1x16x512xf32, #tpu.memory_space<hbm>> -> memref<16x512xf32, #tpu.memory_space<hbm>>
      %dma_start3A_814 = arith.constant 0 : i32
      %dma_start3A_815 = tpu.memref_slice %arg5[%select_n3A_807, %add3A_810, %dma_start3A_814] : memref<36x4096x512xf32, #tpu.memory_space<hbm>> -> memref<1x16x512xf32, #tpu.memory_space<hbm>>
      %dma_start3A_816 = tpu.memref_squeeze %dma_start3A_815 : memref<1x16x512xf32, #tpu.memory_space<hbm>> -> memref<16x512xf32, #tpu.memory_space<hbm>>
      tpu.enqueue_dma source(%arg10 : memref<16x512xf32, #tpu.memory_space<vmem>>) target(%dma_start3A_816 : memref<16x512xf32, #tpu.memory_space<hbm>>) target_semaphore(%arg19 : memref<!tpu.dma_semaphore, #tpu.memory_space<semaphore_mem>>)
      %mul3A_817 = arith.constant 7 : i32
      %mul3A_818 = arith.muli %scan3A_398, %mul3A_817 : i32
      %add3A_819 = arith.constant 0 : i32
      %add3A_820 = arith.addi %mul3A_818, %add3A_819 : i32
      %lt3A_821 = arith.constant 256 : i32
      %lt3A_822 = arith.cmpi slt, %add3A_820, %lt3A_821 : i32
      %convert_element_type3A = arith.extui %lt3A_822 : i1 to i32
      %cond3A = arith.constant 0 : i32
      %cond3A_823 = arith.cmpi ne, %convert_element_type3A, %cond3A : i32
      scf.if %cond3A_823 {
        %jit3A_914 = arith.constant 16 : i32
        %div3A_915 = arith.divsi %add3A_820, %jit3A_914 : i32
        %sign3A_916 = arith.constant 0 : i32
        %sign3A_917 = arith.cmpi sgt, %add3A_820, %sign3A_916 : i32
        %sign3A_918 = arith.extui %sign3A_917 : i1 to i32
        %sign3A_919 = arith.constant 0 : i32
        %sign3A_920 = arith.cmpi slt, %add3A_820, %sign3A_919 : i32
        %sign3A_921 = arith.extui %sign3A_920 : i1 to i32
        %sign3A_922 = arith.subi %sign3A_918, %sign3A_921 : i32
        %sign3A_923 = arith.constant 0 : i32
        %sign3A_924 = arith.cmpi sgt, %jit3A_914, %sign3A_923 : i32
        %sign3A_925 = arith.extui %sign3A_924 : i1 to i32
        %sign3A_926 = arith.constant 0 : i32
        %sign3A_927 = arith.cmpi slt, %jit3A_914, %sign3A_926 : i32
        %sign3A_928 = arith.extui %sign3A_927 : i1 to i32
        %sign3A_929 = arith.subi %sign3A_925, %sign3A_928 : i32
        %ne3A_930 = arith.cmpi ne, %sign3A_922, %sign3A_929 : i32
        %rem3A_931 = arith.remsi %add3A_820, %jit3A_914 : i32
        %ne3A_932 = arith.constant 0 : i32
        %ne3A_933 = arith.cmpi ne, %rem3A_931, %ne3A_932 : i32
        %and3A_934 = arith.andi %ne3A_930, %ne3A_933 : i1
        %sub3A_935 = arith.constant 1 : i32
        %sub3A_936 = arith.subi %div3A_915, %sub3A_935 : i32
        %select_n3A_937 = arith.select %and3A_934, %sub3A_936, %div3A_915 : i32
        %mul3A_938 = arith.constant 8 : i32
        %mul3A_939 = arith.muli %select_n3A_937, %mul3A_938 : i32
        %jit3A_940 = arith.constant 16 : i32
        %div3A_941 = arith.divsi %add3A_820, %jit3A_940 : i32
        %sign3A_942 = arith.constant 0 : i32
        %sign3A_943 = arith.cmpi sgt, %add3A_820, %sign3A_942 : i32
        %sign3A_944 = arith.extui %sign3A_943 : i1 to i32
        %sign3A_945 = arith.constant 0 : i32
        %sign3A_946 = arith.cmpi slt, %add3A_820, %sign3A_945 : i32
        %sign3A_947 = arith.extui %sign3A_946 : i1 to i32
        %sign3A_948 = arith.subi %sign3A_944, %sign3A_947 : i32
        %sign3A_949 = arith.constant 0 : i32
        %sign3A_950 = arith.cmpi sgt, %jit3A_940, %sign3A_949 : i32
        %sign3A_951 = arith.extui %sign3A_950 : i1 to i32
        %sign3A_952 = arith.constant 0 : i32
        %sign3A_953 = arith.cmpi slt, %jit3A_940, %sign3A_952 : i32
        %sign3A_954 = arith.extui %sign3A_953 : i1 to i32
        %sign3A_955 = arith.subi %sign3A_951, %sign3A_954 : i32
        %ne3A_956 = arith.cmpi ne, %sign3A_948, %sign3A_955 : i32
        %rem3A_957 = arith.remsi %add3A_820, %jit3A_940 : i32
        %ne3A_958 = arith.constant 0 : i32
        %ne3A_959 = arith.cmpi ne, %rem3A_957, %ne3A_958 : i32
        %and3A_960 = arith.andi %ne3A_956, %ne3A_959 : i1
        %sub3A_961 = arith.constant 1 : i32
        %sub3A_962 = arith.subi %div3A_941, %sub3A_961 : i32
        %select_n3A_963 = arith.select %and3A_960, %sub3A_962, %div3A_941 : i32
        %jit3A_964 = arith.constant 16 : i32
        %eq3A_965 = arith.constant 0 : i32
        %eq3A_966 = arith.cmpi eq, %jit3A_964, %eq3A_965 : i32
        %jit3A_967 = arith.constant 1 : i32
        %select_n3A_968 = arith.select %eq3A_966, %jit3A_967, %jit3A_964 : i32
        %rem3A_969 = arith.remsi %add3A_820, %select_n3A_968 : i32
        %ne3A_970 = arith.constant 0 : i32
        %ne3A_971 = arith.cmpi ne, %rem3A_969, %ne3A_970 : i32
        %lt3A_972 = arith.constant 0 : i32
        %lt3A_973 = arith.cmpi slt, %rem3A_969, %lt3A_972 : i32
        %lt3A_974 = arith.constant 0 : i32
        %lt3A_975 = arith.cmpi slt, %select_n3A_968, %lt3A_974 : i32
        %ne3A_976 = arith.xori %lt3A_973, %lt3A_975 : i1
        %and3A_977 = arith.andi %ne3A_976, %ne3A_971 : i1
        %add3A_978 = arith.addi %rem3A_969, %select_n3A_968 : i32
        %select_n3A_979 = arith.select %and3A_977, %add3A_978, %rem3A_969 : i32
        %add3A_980 = arith.constant 1 : i32
        %add3A_981 = arith.addi %select_n3A_963, %add3A_980 : i32
        %mul3A_982 = arith.constant 8 : i32
        %mul3A_983 = arith.muli %select_n3A_979, %mul3A_982 : i32
        %add3A_984 = arith.addi %mul3A_2, %mul3A_983 : i32
        %dma_start3A_985 = arith.constant 0 : i32
        %dma_start3A_986 = tpu.memref_slice %arg11[%mul3A_939, %dma_start3A_985] : memref<128x512xf32, #tpu.memory_space<vmem>> -> memref<8x512xf32, #tpu.memory_space<vmem>>
        %dma_start3A_987 = arith.constant 0 : i32
        %dma_start3A_988 = tpu.memref_slice %arg5[%add3A_981, %add3A_984, %dma_start3A_987] : memref<36x4096x512xf32, #tpu.memory_space<hbm>> -> memref<1x8x512xf32, #tpu.memory_space<hbm>>
        %dma_start3A_989 = tpu.memref_squeeze %dma_start3A_988 : memref<1x8x512xf32, #tpu.memory_space<hbm>> -> memref<8x512xf32, #tpu.memory_space<hbm>>
        %dma_start3A_990 = arith.constant 0 : i32
        %dma_start3A_991 = tpu.memref_slice %arg5[%add3A_981, %add3A_984, %dma_start3A_990] : memref<36x4096x512xf32, #tpu.memory_space<hbm>> -> memref<1x8x512xf32, #tpu.memory_space<hbm>>
        %dma_start3A_992 = tpu.memref_squeeze %dma_start3A_991 : memref<1x8x512xf32, #tpu.memory_space<hbm>> -> memref<8x512xf32, #tpu.memory_space<hbm>>
        %dma_start3A_993 = arith.constant 0 : i32
        %dma_start3A_994 = tpu.memref_slice %arg11[%mul3A_939, %dma_start3A_993] : memref<128x512xf32, #tpu.memory_space<vmem>> -> memref<8x512xf32, #tpu.memory_space<vmem>>
        tpu.enqueue_dma source(%dma_start3A_994 : memref<8x512xf32, #tpu.memory_space<vmem>>) target(%dma_start3A_992 : memref<8x512xf32, #tpu.memory_space<hbm>>) target_semaphore(%arg20 : memref<!tpu.dma_semaphore, #tpu.memory_space<semaphore_mem>>)
      } else {
      }
      %mul3A_824 = arith.constant 7 : i32
      %mul3A_825 = arith.muli %scan3A_398, %mul3A_824 : i32
      %add3A_826 = arith.constant 1 : i32
      %add3A_827 = arith.addi %mul3A_825, %add3A_826 : i32
      %lt3A_828 = arith.constant 256 : i32
      %lt3A_829 = arith.cmpi slt, %add3A_827, %lt3A_828 : i32
      %convert_element_type3A_830 = arith.extui %lt3A_829 : i1 to i32
      %cond3A_831 = arith.constant 0 : i32
      %cond3A_832 = arith.cmpi ne, %convert_element_type3A_830, %cond3A_831 : i32
      scf.if %cond3A_832 {
        %jit3A_914 = arith.constant 16 : i32
        %div3A_915 = arith.divsi %add3A_827, %jit3A_914 : i32
        %sign3A_916 = arith.constant 0 : i32
        %sign3A_917 = arith.cmpi sgt, %add3A_827, %sign3A_916 : i32
        %sign3A_918 = arith.extui %sign3A_917 : i1 to i32
        %sign3A_919 = arith.constant 0 : i32
        %sign3A_920 = arith.cmpi slt, %add3A_827, %sign3A_919 : i32
        %sign3A_921 = arith.extui %sign3A_920 : i1 to i32
        %sign3A_922 = arith.subi %sign3A_918, %sign3A_921 : i32
        %sign3A_923 = arith.constant 0 : i32
        %sign3A_924 = arith.cmpi sgt, %jit3A_914, %sign3A_923 : i32
        %sign3A_925 = arith.extui %sign3A_924 : i1 to i32
        %sign3A_926 = arith.constant 0 : i32
        %sign3A_927 = arith.cmpi slt, %jit3A_914, %sign3A_926 : i32
        %sign3A_928 = arith.extui %sign3A_927 : i1 to i32
        %sign3A_929 = arith.subi %sign3A_925, %sign3A_928 : i32
        %ne3A_930 = arith.cmpi ne, %sign3A_922, %sign3A_929 : i32
        %rem3A_931 = arith.remsi %add3A_827, %jit3A_914 : i32
        %ne3A_932 = arith.constant 0 : i32
        %ne3A_933 = arith.cmpi ne, %rem3A_931, %ne3A_932 : i32
        %and3A_934 = arith.andi %ne3A_930, %ne3A_933 : i1
        %sub3A_935 = arith.constant 1 : i32
        %sub3A_936 = arith.subi %div3A_915, %sub3A_935 : i32
        %select_n3A_937 = arith.select %and3A_934, %sub3A_936, %div3A_915 : i32
        %mul3A_938 = arith.constant 8 : i32
        %mul3A_939 = arith.muli %select_n3A_937, %mul3A_938 : i32
        %jit3A_940 = arith.constant 16 : i32
        %div3A_941 = arith.divsi %add3A_827, %jit3A_940 : i32
        %sign3A_942 = arith.constant 0 : i32
        %sign3A_943 = arith.cmpi sgt, %add3A_827, %sign3A_942 : i32
        %sign3A_944 = arith.extui %sign3A_943 : i1 to i32
        %sign3A_945 = arith.constant 0 : i32
        %sign3A_946 = arith.cmpi slt, %add3A_827, %sign3A_945 : i32
        %sign3A_947 = arith.extui %sign3A_946 : i1 to i32
        %sign3A_948 = arith.subi %sign3A_944, %sign3A_947 : i32
        %sign3A_949 = arith.constant 0 : i32
        %sign3A_950 = arith.cmpi sgt, %jit3A_940, %sign3A_949 : i32
        %sign3A_951 = arith.extui %sign3A_950 : i1 to i32
        %sign3A_952 = arith.constant 0 : i32
        %sign3A_953 = arith.cmpi slt, %jit3A_940, %sign3A_952 : i32
        %sign3A_954 = arith.extui %sign3A_953 : i1 to i32
        %sign3A_955 = arith.subi %sign3A_951, %sign3A_954 : i32
        %ne3A_956 = arith.cmpi ne, %sign3A_948, %sign3A_955 : i32
        %rem3A_957 = arith.remsi %add3A_827, %jit3A_940 : i32
        %ne3A_958 = arith.constant 0 : i32
        %ne3A_959 = arith.cmpi ne, %rem3A_957, %ne3A_958 : i32
        %and3A_960 = arith.andi %ne3A_956, %ne3A_959 : i1
        %sub3A_961 = arith.constant 1 : i32
        %sub3A_962 = arith.subi %div3A_941, %sub3A_961 : i32
        %select_n3A_963 = arith.select %and3A_960, %sub3A_962, %div3A_941 : i32
        %jit3A_964 = arith.constant 16 : i32
        %eq3A_965 = arith.constant 0 : i32
        %eq3A_966 = arith.cmpi eq, %jit3A_964, %eq3A_965 : i32
        %jit3A_967 = arith.constant 1 : i32
        %select_n3A_968 = arith.select %eq3A_966, %jit3A_967, %jit3A_964 : i32
        %rem3A_969 = arith.remsi %add3A_827, %select_n3A_968 : i32
        %ne3A_970 = arith.constant 0 : i32
        %ne3A_971 = arith.cmpi ne, %rem3A_969, %ne3A_970 : i32
        %lt3A_972 = arith.constant 0 : i32
        %lt3A_973 = arith.cmpi slt, %rem3A_969, %lt3A_972 : i32
        %lt3A_974 = arith.constant 0 : i32
        %lt3A_975 = arith.cmpi slt, %select_n3A_968, %lt3A_974 : i32
        %ne3A_976 = arith.xori %lt3A_973, %lt3A_975 : i1
        %and3A_977 = arith.andi %ne3A_976, %ne3A_971 : i1
        %add3A_978 = arith.addi %rem3A_969, %select_n3A_968 : i32
        %select_n3A_979 = arith.select %and3A_977, %add3A_978, %rem3A_969 : i32
        %add3A_980 = arith.constant 1 : i32
        %add3A_981 = arith.addi %select_n3A_963, %add3A_980 : i32
        %mul3A_982 = arith.constant 8 : i32
        %mul3A_983 = arith.muli %select_n3A_979, %mul3A_982 : i32
        %add3A_984 = arith.addi %mul3A_2, %mul3A_983 : i32
        %dma_start3A_985 = arith.constant 0 : i32
        %dma_start3A_986 = tpu.memref_slice %arg11[%mul3A_939, %dma_start3A_985] : memref<128x512xf32, #tpu.memory_space<vmem>> -> memref<8x512xf32, #tpu.memory_space<vmem>>
        %dma_start3A_987 = arith.constant 0 : i32
        %dma_start3A_988 = tpu.memref_slice %arg5[%add3A_981, %add3A_984, %dma_start3A_987] : memref<36x4096x512xf32, #tpu.memory_space<hbm>> -> memref<1x8x512xf32, #tpu.memory_space<hbm>>
        %dma_start3A_989 = tpu.memref_squeeze %dma_start3A_988 : memref<1x8x512xf32, #tpu.memory_space<hbm>> -> memref<8x512xf32, #tpu.memory_space<hbm>>
        %dma_start3A_990 = arith.constant 0 : i32
        %dma_start3A_991 = tpu.memref_slice %arg5[%add3A_981, %add3A_984, %dma_start3A_990] : memref<36x4096x512xf32, #tpu.memory_space<hbm>> -> memref<1x8x512xf32, #tpu.memory_space<hbm>>
        %dma_start3A_992 = tpu.memref_squeeze %dma_start3A_991 : memref<1x8x512xf32, #tpu.memory_space<hbm>> -> memref<8x512xf32, #tpu.memory_space<hbm>>
        %dma_start3A_993 = arith.constant 0 : i32
        %dma_start3A_994 = tpu.memref_slice %arg11[%mul3A_939, %dma_start3A_993] : memref<128x512xf32, #tpu.memory_space<vmem>> -> memref<8x512xf32, #tpu.memory_space<vmem>>
        tpu.enqueue_dma source(%dma_start3A_994 : memref<8x512xf32, #tpu.memory_space<vmem>>) target(%dma_start3A_992 : memref<8x512xf32, #tpu.memory_space<hbm>>) target_semaphore(%arg20 : memref<!tpu.dma_semaphore, #tpu.memory_space<semaphore_mem>>)
      } else {
      }
      %mul3A_833 = arith.constant 7 : i32
      %mul3A_834 = arith.muli %scan3A_398, %mul3A_833 : i32
      %add3A_835 = arith.constant 2 : i32
      %add3A_836 = arith.addi %mul3A_834, %add3A_835 : i32
      %lt3A_837 = arith.constant 256 : i32
      %lt3A_838 = arith.cmpi slt, %add3A_836, %lt3A_837 : i32
      %convert_element_type3A_839 = arith.extui %lt3A_838 : i1 to i32
      %cond3A_840 = arith.constant 0 : i32
      %cond3A_841 = arith.cmpi ne, %convert_element_type3A_839, %cond3A_840 : i32
      scf.if %cond3A_841 {
        %jit3A_914 = arith.constant 16 : i32
        %div3A_915 = arith.divsi %add3A_836, %jit3A_914 : i32
        %sign3A_916 = arith.constant 0 : i32
        %sign3A_917 = arith.cmpi sgt, %add3A_836, %sign3A_916 : i32
        %sign3A_918 = arith.extui %sign3A_917 : i1 to i32
        %sign3A_919 = arith.constant 0 : i32
        %sign3A_920 = arith.cmpi slt, %add3A_836, %sign3A_919 : i32
        %sign3A_921 = arith.extui %sign3A_920 : i1 to i32
        %sign3A_922 = arith.subi %sign3A_918, %sign3A_921 : i32
        %sign3A_923 = arith.constant 0 : i32
        %sign3A_924 = arith.cmpi sgt, %jit3A_914, %sign3A_923 : i32
        %sign3A_925 = arith.extui %sign3A_924 : i1 to i32
        %sign3A_926 = arith.constant 0 : i32
        %sign3A_927 = arith.cmpi slt, %jit3A_914, %sign3A_926 : i32
        %sign3A_928 = arith.extui %sign3A_927 : i1 to i32
        %sign3A_929 = arith.subi %sign3A_925, %sign3A_928 : i32
        %ne3A_930 = arith.cmpi ne, %sign3A_922, %sign3A_929 : i32
        %rem3A_931 = arith.remsi %add3A_836, %jit3A_914 : i32
        %ne3A_932 = arith.constant 0 : i32
        %ne3A_933 = arith.cmpi ne, %rem3A_931, %ne3A_932 : i32
        %and3A_934 = arith.andi %ne3A_930, %ne3A_933 : i1
        %sub3A_935 = arith.constant 1 : i32
        %sub3A_936 = arith.subi %div3A_915, %sub3A_935 : i32
        %select_n3A_937 = arith.select %and3A_934, %sub3A_936, %div3A_915 : i32
        %mul3A_938 = arith.constant 8 : i32
        %mul3A_939 = arith.muli %select_n3A_937, %mul3A_938 : i32
        %jit3A_940 = arith.constant 16 : i32
        %div3A_941 = arith.divsi %add3A_836, %jit3A_940 : i32
        %sign3A_942 = arith.constant 0 : i32
        %sign3A_943 = arith.cmpi sgt, %add3A_836, %sign3A_942 : i32
        %sign3A_944 = arith.extui %sign3A_943 : i1 to i32
        %sign3A_945 = arith.constant 0 : i32
        %sign3A_946 = arith.cmpi slt, %add3A_836, %sign3A_945 : i32
        %sign3A_947 = arith.extui %sign3A_946 : i1 to i32
        %sign3A_948 = arith.subi %sign3A_944, %sign3A_947 : i32
        %sign3A_949 = arith.constant 0 : i32
        %sign3A_950 = arith.cmpi sgt, %jit3A_940, %sign3A_949 : i32
        %sign3A_951 = arith.extui %sign3A_950 : i1 to i32
        %sign3A_952 = arith.constant 0 : i32
        %sign3A_953 = arith.cmpi slt, %jit3A_940, %sign3A_952 : i32
        %sign3A_954 = arith.extui %sign3A_953 : i1 to i32
        %sign3A_955 = arith.subi %sign3A_951, %sign3A_954 : i32
        %ne3A_956 = arith.cmpi ne, %sign3A_948, %sign3A_955 : i32
        %rem3A_957 = arith.remsi %add3A_836, %jit3A_940 : i32
        %ne3A_958 = arith.constant 0 : i32
        %ne3A_959 = arith.cmpi ne, %rem3A_957, %ne3A_958 : i32
        %and3A_960 = arith.andi %ne3A_956, %ne3A_959 : i1
        %sub3A_961 = arith.constant 1 : i32
        %sub3A_962 = arith.subi %div3A_941, %sub3A_961 : i32
        %select_n3A_963 = arith.select %and3A_960, %sub3A_962, %div3A_941 : i32
        %jit3A_964 = arith.constant 16 : i32
        %eq3A_965 = arith.constant 0 : i32
        %eq3A_966 = arith.cmpi eq, %jit3A_964, %eq3A_965 : i32
        %jit3A_967 = arith.constant 1 : i32
        %select_n3A_968 = arith.select %eq3A_966, %jit3A_967, %jit3A_964 : i32
        %rem3A_969 = arith.remsi %add3A_836, %select_n3A_968 : i32
        %ne3A_970 = arith.constant 0 : i32
        %ne3A_971 = arith.cmpi ne, %rem3A_969, %ne3A_970 : i32
        %lt3A_972 = arith.constant 0 : i32
        %lt3A_973 = arith.cmpi slt, %rem3A_969, %lt3A_972 : i32
        %lt3A_974 = arith.constant 0 : i32
        %lt3A_975 = arith.cmpi slt, %select_n3A_968, %lt3A_974 : i32
        %ne3A_976 = arith.xori %lt3A_973, %lt3A_975 : i1
        %and3A_977 = arith.andi %ne3A_976, %ne3A_971 : i1
        %add3A_978 = arith.addi %rem3A_969, %select_n3A_968 : i32
        %select_n3A_979 = arith.select %and3A_977, %add3A_978, %rem3A_969 : i32
        %add3A_980 = arith.constant 1 : i32
        %add3A_981 = arith.addi %select_n3A_963, %add3A_980 : i32
        %mul3A_982 = arith.constant 8 : i32
        %mul3A_983 = arith.muli %select_n3A_979, %mul3A_982 : i32
        %add3A_984 = arith.addi %mul3A_2, %mul3A_983 : i32
        %dma_start3A_985 = arith.constant 0 : i32
        %dma_start3A_986 = tpu.memref_slice %arg11[%mul3A_939, %dma_start3A_985] : memref<128x512xf32, #tpu.memory_space<vmem>> -> memref<8x512xf32, #tpu.memory_space<vmem>>
        %dma_start3A_987 = arith.constant 0 : i32
        %dma_start3A_988 = tpu.memref_slice %arg5[%add3A_981, %add3A_984, %dma_start3A_987] : memref<36x4096x512xf32, #tpu.memory_space<hbm>> -> memref<1x8x512xf32, #tpu.memory_space<hbm>>
        %dma_start3A_989 = tpu.memref_squeeze %dma_start3A_988 : memref<1x8x512xf32, #tpu.memory_space<hbm>> -> memref<8x512xf32, #tpu.memory_space<hbm>>
        %dma_start3A_990 = arith.constant 0 : i32
        %dma_start3A_991 = tpu.memref_slice %arg5[%add3A_981, %add3A_984, %dma_start3A_990] : memref<36x4096x512xf32, #tpu.memory_space<hbm>> -> memref<1x8x512xf32, #tpu.memory_space<hbm>>
        %dma_start3A_992 = tpu.memref_squeeze %dma_start3A_991 : memref<1x8x512xf32, #tpu.memory_space<hbm>> -> memref<8x512xf32, #tpu.memory_space<hbm>>
        %dma_start3A_993 = arith.constant 0 : i32
        %dma_start3A_994 = tpu.memref_slice %arg11[%mul3A_939, %dma_start3A_993] : memref<128x512xf32, #tpu.memory_space<vmem>> -> memref<8x512xf32, #tpu.memory_space<vmem>>
        tpu.enqueue_dma source(%dma_start3A_994 : memref<8x512xf32, #tpu.memory_space<vmem>>) target(%dma_start3A_992 : memref<8x512xf32, #tpu.memory_space<hbm>>) target_semaphore(%arg20 : memref<!tpu.dma_semaphore, #tpu.memory_space<semaphore_mem>>)
      } else {
      }
      %mul3A_842 = arith.constant 7 : i32
      %mul3A_843 = arith.muli %scan3A_398, %mul3A_842 : i32
      %add3A_844 = arith.constant 3 : i32
      %add3A_845 = arith.addi %mul3A_843, %add3A_844 : i32
      %lt3A_846 = arith.constant 256 : i32
      %lt3A_847 = arith.cmpi slt, %add3A_845, %lt3A_846 : i32
      %convert_element_type3A_848 = arith.extui %lt3A_847 : i1 to i32
      %cond3A_849 = arith.constant 0 : i32
      %cond3A_850 = arith.cmpi ne, %convert_element_type3A_848, %cond3A_849 : i32
      scf.if %cond3A_850 {
        %jit3A_914 = arith.constant 16 : i32
        %div3A_915 = arith.divsi %add3A_845, %jit3A_914 : i32
        %sign3A_916 = arith.constant 0 : i32
        %sign3A_917 = arith.cmpi sgt, %add3A_845, %sign3A_916 : i32
        %sign3A_918 = arith.extui %sign3A_917 : i1 to i32
        %sign3A_919 = arith.constant 0 : i32
        %sign3A_920 = arith.cmpi slt, %add3A_845, %sign3A_919 : i32
        %sign3A_921 = arith.extui %sign3A_920 : i1 to i32
        %sign3A_922 = arith.subi %sign3A_918, %sign3A_921 : i32
        %sign3A_923 = arith.constant 0 : i32
        %sign3A_924 = arith.cmpi sgt, %jit3A_914, %sign3A_923 : i32
        %sign3A_925 = arith.extui %sign3A_924 : i1 to i32
        %sign3A_926 = arith.constant 0 : i32
        %sign3A_927 = arith.cmpi slt, %jit3A_914, %sign3A_926 : i32
        %sign3A_928 = arith.extui %sign3A_927 : i1 to i32
        %sign3A_929 = arith.subi %sign3A_925, %sign3A_928 : i32
        %ne3A_930 = arith.cmpi ne, %sign3A_922, %sign3A_929 : i32
        %rem3A_931 = arith.remsi %add3A_845, %jit3A_914 : i32
        %ne3A_932 = arith.constant 0 : i32
        %ne3A_933 = arith.cmpi ne, %rem3A_931, %ne3A_932 : i32
        %and3A_934 = arith.andi %ne3A_930, %ne3A_933 : i1
        %sub3A_935 = arith.constant 1 : i32
        %sub3A_936 = arith.subi %div3A_915, %sub3A_935 : i32
        %select_n3A_937 = arith.select %and3A_934, %sub3A_936, %div3A_915 : i32
        %mul3A_938 = arith.constant 8 : i32
        %mul3A_939 = arith.muli %select_n3A_937, %mul3A_938 : i32
        %jit3A_940 = arith.constant 16 : i32
        %div3A_941 = arith.divsi %add3A_845, %jit3A_940 : i32
        %sign3A_942 = arith.constant 0 : i32
        %sign3A_943 = arith.cmpi sgt, %add3A_845, %sign3A_942 : i32
        %sign3A_944 = arith.extui %sign3A_943 : i1 to i32
        %sign3A_945 = arith.constant 0 : i32
        %sign3A_946 = arith.cmpi slt, %add3A_845, %sign3A_945 : i32
        %sign3A_947 = arith.extui %sign3A_946 : i1 to i32
        %sign3A_948 = arith.subi %sign3A_944, %sign3A_947 : i32
        %sign3A_949 = arith.constant 0 : i32
        %sign3A_950 = arith.cmpi sgt, %jit3A_940, %sign3A_949 : i32
        %sign3A_951 = arith.extui %sign3A_950 : i1 to i32
        %sign3A_952 = arith.constant 0 : i32
        %sign3A_953 = arith.cmpi slt, %jit3A_940, %sign3A_952 : i32
        %sign3A_954 = arith.extui %sign3A_953 : i1 to i32
        %sign3A_955 = arith.subi %sign3A_951, %sign3A_954 : i32
        %ne3A_956 = arith.cmpi ne, %sign3A_948, %sign3A_955 : i32
        %rem3A_957 = arith.remsi %add3A_845, %jit3A_940 : i32
        %ne3A_958 = arith.constant 0 : i32
        %ne3A_959 = arith.cmpi ne, %rem3A_957, %ne3A_958 : i32
        %and3A_960 = arith.andi %ne3A_956, %ne3A_959 : i1
        %sub3A_961 = arith.constant 1 : i32
        %sub3A_962 = arith.subi %div3A_941, %sub3A_961 : i32
        %select_n3A_963 = arith.select %and3A_960, %sub3A_962, %div3A_941 : i32
        %jit3A_964 = arith.constant 16 : i32
        %eq3A_965 = arith.constant 0 : i32
        %eq3A_966 = arith.cmpi eq, %jit3A_964, %eq3A_965 : i32
        %jit3A_967 = arith.constant 1 : i32
        %select_n3A_968 = arith.select %eq3A_966, %jit3A_967, %jit3A_964 : i32
        %rem3A_969 = arith.remsi %add3A_845, %select_n3A_968 : i32
        %ne3A_970 = arith.constant 0 : i32
        %ne3A_971 = arith.cmpi ne, %rem3A_969, %ne3A_970 : i32
        %lt3A_972 = arith.constant 0 : i32
        %lt3A_973 = arith.cmpi slt, %rem3A_969, %lt3A_972 : i32
        %lt3A_974 = arith.constant 0 : i32
        %lt3A_975 = arith.cmpi slt, %select_n3A_968, %lt3A_974 : i32
        %ne3A_976 = arith.xori %lt3A_973, %lt3A_975 : i1
        %and3A_977 = arith.andi %ne3A_976, %ne3A_971 : i1
        %add3A_978 = arith.addi %rem3A_969, %select_n3A_968 : i32
        %select_n3A_979 = arith.select %and3A_977, %add3A_978, %rem3A_969 : i32
        %add3A_980 = arith.constant 1 : i32
        %add3A_981 = arith.addi %select_n3A_963, %add3A_980 : i32
        %mul3A_982 = arith.constant 8 : i32
        %mul3A_983 = arith.muli %select_n3A_979, %mul3A_982 : i32
        %add3A_984 = arith.addi %mul3A_2, %mul3A_983 : i32
        %dma_start3A_985 = arith.constant 0 : i32
        %dma_start3A_986 = tpu.memref_slice %arg11[%mul3A_939, %dma_start3A_985] : memref<128x512xf32, #tpu.memory_space<vmem>> -> memref<8x512xf32, #tpu.memory_space<vmem>>
        %dma_start3A_987 = arith.constant 0 : i32
        %dma_start3A_988 = tpu.memref_slice %arg5[%add3A_981, %add3A_984, %dma_start3A_987] : memref<36x4096x512xf32, #tpu.memory_space<hbm>> -> memref<1x8x512xf32, #tpu.memory_space<hbm>>
        %dma_start3A_989 = tpu.memref_squeeze %dma_start3A_988 : memref<1x8x512xf32, #tpu.memory_space<hbm>> -> memref<8x512xf32, #tpu.memory_space<hbm>>
        %dma_start3A_990 = arith.constant 0 : i32
        %dma_start3A_991 = tpu.memref_slice %arg5[%add3A_981, %add3A_984, %dma_start3A_990] : memref<36x4096x512xf32, #tpu.memory_space<hbm>> -> memref<1x8x512xf32, #tpu.memory_space<hbm>>
        %dma_start3A_992 = tpu.memref_squeeze %dma_start3A_991 : memref<1x8x512xf32, #tpu.memory_space<hbm>> -> memref<8x512xf32, #tpu.memory_space<hbm>>
        %dma_start3A_993 = arith.constant 0 : i32
        %dma_start3A_994 = tpu.memref_slice %arg11[%mul3A_939, %dma_start3A_993] : memref<128x512xf32, #tpu.memory_space<vmem>> -> memref<8x512xf32, #tpu.memory_space<vmem>>
        tpu.enqueue_dma source(%dma_start3A_994 : memref<8x512xf32, #tpu.memory_space<vmem>>) target(%dma_start3A_992 : memref<8x512xf32, #tpu.memory_space<hbm>>) target_semaphore(%arg20 : memref<!tpu.dma_semaphore, #tpu.memory_space<semaphore_mem>>)
      } else {
      }
      %mul3A_851 = arith.constant 7 : i32
      %mul3A_852 = arith.muli %scan3A_398, %mul3A_851 : i32
      %add3A_853 = arith.constant 4 : i32
      %add3A_854 = arith.addi %mul3A_852, %add3A_853 : i32
      %lt3A_855 = arith.constant 256 : i32
      %lt3A_856 = arith.cmpi slt, %add3A_854, %lt3A_855 : i32
      %convert_element_type3A_857 = arith.extui %lt3A_856 : i1 to i32
      %cond3A_858 = arith.constant 0 : i32
      %cond3A_859 = arith.cmpi ne, %convert_element_type3A_857, %cond3A_858 : i32
      scf.if %cond3A_859 {
        %jit3A_914 = arith.constant 16 : i32
        %div3A_915 = arith.divsi %add3A_854, %jit3A_914 : i32
        %sign3A_916 = arith.constant 0 : i32
        %sign3A_917 = arith.cmpi sgt, %add3A_854, %sign3A_916 : i32
        %sign3A_918 = arith.extui %sign3A_917 : i1 to i32
        %sign3A_919 = arith.constant 0 : i32
        %sign3A_920 = arith.cmpi slt, %add3A_854, %sign3A_919 : i32
        %sign3A_921 = arith.extui %sign3A_920 : i1 to i32
        %sign3A_922 = arith.subi %sign3A_918, %sign3A_921 : i32
        %sign3A_923 = arith.constant 0 : i32
        %sign3A_924 = arith.cmpi sgt, %jit3A_914, %sign3A_923 : i32
        %sign3A_925 = arith.extui %sign3A_924 : i1 to i32
        %sign3A_926 = arith.constant 0 : i32
        %sign3A_927 = arith.cmpi slt, %jit3A_914, %sign3A_926 : i32
        %sign3A_928 = arith.extui %sign3A_927 : i1 to i32
        %sign3A_929 = arith.subi %sign3A_925, %sign3A_928 : i32
        %ne3A_930 = arith.cmpi ne, %sign3A_922, %sign3A_929 : i32
        %rem3A_931 = arith.remsi %add3A_854, %jit3A_914 : i32
        %ne3A_932 = arith.constant 0 : i32
        %ne3A_933 = arith.cmpi ne, %rem3A_931, %ne3A_932 : i32
        %and3A_934 = arith.andi %ne3A_930, %ne3A_933 : i1
        %sub3A_935 = arith.constant 1 : i32
        %sub3A_936 = arith.subi %div3A_915, %sub3A_935 : i32
        %select_n3A_937 = arith.select %and3A_934, %sub3A_936, %div3A_915 : i32
        %mul3A_938 = arith.constant 8 : i32
        %mul3A_939 = arith.muli %select_n3A_937, %mul3A_938 : i32
        %jit3A_940 = arith.constant 16 : i32
        %div3A_941 = arith.divsi %add3A_854, %jit3A_940 : i32
        %sign3A_942 = arith.constant 0 : i32
        %sign3A_943 = arith.cmpi sgt, %add3A_854, %sign3A_942 : i32
        %sign3A_944 = arith.extui %sign3A_943 : i1 to i32
        %sign3A_945 = arith.constant 0 : i32
        %sign3A_946 = arith.cmpi slt, %add3A_854, %sign3A_945 : i32
        %sign3A_947 = arith.extui %sign3A_946 : i1 to i32
        %sign3A_948 = arith.subi %sign3A_944, %sign3A_947 : i32
        %sign3A_949 = arith.constant 0 : i32
        %sign3A_950 = arith.cmpi sgt, %jit3A_940, %sign3A_949 : i32
        %sign3A_951 = arith.extui %sign3A_950 : i1 to i32
        %sign3A_952 = arith.constant 0 : i32
        %sign3A_953 = arith.cmpi slt, %jit3A_940, %sign3A_952 : i32
        %sign3A_954 = arith.extui %sign3A_953 : i1 to i32
        %sign3A_955 = arith.subi %sign3A_951, %sign3A_954 : i32
        %ne3A_956 = arith.cmpi ne, %sign3A_948, %sign3A_955 : i32
        %rem3A_957 = arith.remsi %add3A_854, %jit3A_940 : i32
        %ne3A_958 = arith.constant 0 : i32
        %ne3A_959 = arith.cmpi ne, %rem3A_957, %ne3A_958 : i32
        %and3A_960 = arith.andi %ne3A_956, %ne3A_959 : i1
        %sub3A_961 = arith.constant 1 : i32
        %sub3A_962 = arith.subi %div3A_941, %sub3A_961 : i32
        %select_n3A_963 = arith.select %and3A_960, %sub3A_962, %div3A_941 : i32
        %jit3A_964 = arith.constant 16 : i32
        %eq3A_965 = arith.constant 0 : i32
        %eq3A_966 = arith.cmpi eq, %jit3A_964, %eq3A_965 : i32
        %jit3A_967 = arith.constant 1 : i32
        %select_n3A_968 = arith.select %eq3A_966, %jit3A_967, %jit3A_964 : i32
        %rem3A_969 = arith.remsi %add3A_854, %select_n3A_968 : i32
        %ne3A_970 = arith.constant 0 : i32
        %ne3A_971 = arith.cmpi ne, %rem3A_969, %ne3A_970 : i32
        %lt3A_972 = arith.constant 0 : i32
        %lt3A_973 = arith.cmpi slt, %rem3A_969, %lt3A_972 : i32
        %lt3A_974 = arith.constant 0 : i32
        %lt3A_975 = arith.cmpi slt, %select_n3A_968, %lt3A_974 : i32
        %ne3A_976 = arith.xori %lt3A_973, %lt3A_975 : i1
        %and3A_977 = arith.andi %ne3A_976, %ne3A_971 : i1
        %add3A_978 = arith.addi %rem3A_969, %select_n3A_968 : i32
        %select_n3A_979 = arith.select %and3A_977, %add3A_978, %rem3A_969 : i32
        %add3A_980 = arith.constant 1 : i32
        %add3A_981 = arith.addi %select_n3A_963, %add3A_980 : i32
        %mul3A_982 = arith.constant 8 : i32
        %mul3A_983 = arith.muli %select_n3A_979, %mul3A_982 : i32
        %add3A_984 = arith.addi %mul3A_2, %mul3A_983 : i32
        %dma_start3A_985 = arith.constant 0 : i32
        %dma_start3A_986 = tpu.memref_slice %arg11[%mul3A_939, %dma_start3A_985] : memref<128x512xf32, #tpu.memory_space<vmem>> -> memref<8x512xf32, #tpu.memory_space<vmem>>
        %dma_start3A_987 = arith.constant 0 : i32
        %dma_start3A_988 = tpu.memref_slice %arg5[%add3A_981, %add3A_984, %dma_start3A_987] : memref<36x4096x512xf32, #tpu.memory_space<hbm>> -> memref<1x8x512xf32, #tpu.memory_space<hbm>>
        %dma_start3A_989 = tpu.memref_squeeze %dma_start3A_988 : memref<1x8x512xf32, #tpu.memory_space<hbm>> -> memref<8x512xf32, #tpu.memory_space<hbm>>
        %dma_start3A_990 = arith.constant 0 : i32
        %dma_start3A_991 = tpu.memref_slice %arg5[%add3A_981, %add3A_984, %dma_start3A_990] : memref<36x4096x512xf32, #tpu.memory_space<hbm>> -> memref<1x8x512xf32, #tpu.memory_space<hbm>>
        %dma_start3A_992 = tpu.memref_squeeze %dma_start3A_991 : memref<1x8x512xf32, #tpu.memory_space<hbm>> -> memref<8x512xf32, #tpu.memory_space<hbm>>
        %dma_start3A_993 = arith.constant 0 : i32
        %dma_start3A_994 = tpu.memref_slice %arg11[%mul3A_939, %dma_start3A_993] : memref<128x512xf32, #tpu.memory_space<vmem>> -> memref<8x512xf32, #tpu.memory_space<vmem>>
        tpu.enqueue_dma source(%dma_start3A_994 : memref<8x512xf32, #tpu.memory_space<vmem>>) target(%dma_start3A_992 : memref<8x512xf32, #tpu.memory_space<hbm>>) target_semaphore(%arg20 : memref<!tpu.dma_semaphore, #tpu.memory_space<semaphore_mem>>)
      } else {
      }
      %mul3A_860 = arith.constant 7 : i32
      %mul3A_861 = arith.muli %scan3A_398, %mul3A_860 : i32
      %add3A_862 = arith.constant 5 : i32
      %add3A_863 = arith.addi %mul3A_861, %add3A_862 : i32
      %lt3A_864 = arith.constant 256 : i32
      %lt3A_865 = arith.cmpi slt, %add3A_863, %lt3A_864 : i32
      %convert_element_type3A_866 = arith.extui %lt3A_865 : i1 to i32
      %cond3A_867 = arith.constant 0 : i32
      %cond3A_868 = arith.cmpi ne, %convert_element_type3A_866, %cond3A_867 : i32
      scf.if %cond3A_868 {
        %jit3A_914 = arith.constant 16 : i32
        %div3A_915 = arith.divsi %add3A_863, %jit3A_914 : i32
        %sign3A_916 = arith.constant 0 : i32
        %sign3A_917 = arith.cmpi sgt, %add3A_863, %sign3A_916 : i32
        %sign3A_918 = arith.extui %sign3A_917 : i1 to i32
        %sign3A_919 = arith.constant 0 : i32
        %sign3A_920 = arith.cmpi slt, %add3A_863, %sign3A_919 : i32
        %sign3A_921 = arith.extui %sign3A_920 : i1 to i32
        %sign3A_922 = arith.subi %sign3A_918, %sign3A_921 : i32
        %sign3A_923 = arith.constant 0 : i32
        %sign3A_924 = arith.cmpi sgt, %jit3A_914, %sign3A_923 : i32
        %sign3A_925 = arith.extui %sign3A_924 : i1 to i32
        %sign3A_926 = arith.constant 0 : i32
        %sign3A_927 = arith.cmpi slt, %jit3A_914, %sign3A_926 : i32
        %sign3A_928 = arith.extui %sign3A_927 : i1 to i32
        %sign3A_929 = arith.subi %sign3A_925, %sign3A_928 : i32
        %ne3A_930 = arith.cmpi ne, %sign3A_922, %sign3A_929 : i32
        %rem3A_931 = arith.remsi %add3A_863, %jit3A_914 : i32
        %ne3A_932 = arith.constant 0 : i32
        %ne3A_933 = arith.cmpi ne, %rem3A_931, %ne3A_932 : i32
        %and3A_934 = arith.andi %ne3A_930, %ne3A_933 : i1
        %sub3A_935 = arith.constant 1 : i32
        %sub3A_936 = arith.subi %div3A_915, %sub3A_935 : i32
        %select_n3A_937 = arith.select %and3A_934, %sub3A_936, %div3A_915 : i32
        %mul3A_938 = arith.constant 8 : i32
        %mul3A_939 = arith.muli %select_n3A_937, %mul3A_938 : i32
        %jit3A_940 = arith.constant 16 : i32
        %div3A_941 = arith.divsi %add3A_863, %jit3A_940 : i32
        %sign3A_942 = arith.constant 0 : i32
        %sign3A_943 = arith.cmpi sgt, %add3A_863, %sign3A_942 : i32
        %sign3A_944 = arith.extui %sign3A_943 : i1 to i32
        %sign3A_945 = arith.constant 0 : i32
        %sign3A_946 = arith.cmpi slt, %add3A_863, %sign3A_945 : i32
        %sign3A_947 = arith.extui %sign3A_946 : i1 to i32
        %sign3A_948 = arith.subi %sign3A_944, %sign3A_947 : i32
        %sign3A_949 = arith.constant 0 : i32
        %sign3A_950 = arith.cmpi sgt, %jit3A_940, %sign3A_949 : i32
        %sign3A_951 = arith.extui %sign3A_950 : i1 to i32
        %sign3A_952 = arith.constant 0 : i32
        %sign3A_953 = arith.cmpi slt, %jit3A_940, %sign3A_952 : i32
        %sign3A_954 = arith.extui %sign3A_953 : i1 to i32
        %sign3A_955 = arith.subi %sign3A_951, %sign3A_954 : i32
        %ne3A_956 = arith.cmpi ne, %sign3A_948, %sign3A_955 : i32
        %rem3A_957 = arith.remsi %add3A_863, %jit3A_940 : i32
        %ne3A_958 = arith.constant 0 : i32
        %ne3A_959 = arith.cmpi ne, %rem3A_957, %ne3A_958 : i32
        %and3A_960 = arith.andi %ne3A_956, %ne3A_959 : i1
        %sub3A_961 = arith.constant 1 : i32
        %sub3A_962 = arith.subi %div3A_941, %sub3A_961 : i32
        %select_n3A_963 = arith.select %and3A_960, %sub3A_962, %div3A_941 : i32
        %jit3A_964 = arith.constant 16 : i32
        %eq3A_965 = arith.constant 0 : i32
        %eq3A_966 = arith.cmpi eq, %jit3A_964, %eq3A_965 : i32
        %jit3A_967 = arith.constant 1 : i32
        %select_n3A_968 = arith.select %eq3A_966, %jit3A_967, %jit3A_964 : i32
        %rem3A_969 = arith.remsi %add3A_863, %select_n3A_968 : i32
        %ne3A_970 = arith.constant 0 : i32
        %ne3A_971 = arith.cmpi ne, %rem3A_969, %ne3A_970 : i32
        %lt3A_972 = arith.constant 0 : i32
        %lt3A_973 = arith.cmpi slt, %rem3A_969, %lt3A_972 : i32
        %lt3A_974 = arith.constant 0 : i32
        %lt3A_975 = arith.cmpi slt, %select_n3A_968, %lt3A_974 : i32
        %ne3A_976 = arith.xori %lt3A_973, %lt3A_975 : i1
        %and3A_977 = arith.andi %ne3A_976, %ne3A_971 : i1
        %add3A_978 = arith.addi %rem3A_969, %select_n3A_968 : i32
        %select_n3A_979 = arith.select %and3A_977, %add3A_978, %rem3A_969 : i32
        %add3A_980 = arith.constant 1 : i32
        %add3A_981 = arith.addi %select_n3A_963, %add3A_980 : i32
        %mul3A_982 = arith.constant 8 : i32
        %mul3A_983 = arith.muli %select_n3A_979, %mul3A_982 : i32
        %add3A_984 = arith.addi %mul3A_2, %mul3A_983 : i32
        %dma_start3A_985 = arith.constant 0 : i32
        %dma_start3A_986 = tpu.memref_slice %arg11[%mul3A_939, %dma_start3A_985] : memref<128x512xf32, #tpu.memory_space<vmem>> -> memref<8x512xf32, #tpu.memory_space<vmem>>
        %dma_start3A_987 = arith.constant 0 : i32
        %dma_start3A_988 = tpu.memref_slice %arg5[%add3A_981, %add3A_984, %dma_start3A_987] : memref<36x4096x512xf32, #tpu.memory_space<hbm>> -> memref<1x8x512xf32, #tpu.memory_space<hbm>>
        %dma_start3A_989 = tpu.memref_squeeze %dma_start3A_988 : memref<1x8x512xf32, #tpu.memory_space<hbm>> -> memref<8x512xf32, #tpu.memory_space<hbm>>
        %dma_start3A_990 = arith.constant 0 : i32
        %dma_start3A_991 = tpu.memref_slice %arg5[%add3A_981, %add3A_984, %dma_start3A_990] : memref<36x4096x512xf32, #tpu.memory_space<hbm>> -> memref<1x8x512xf32, #tpu.memory_space<hbm>>
        %dma_start3A_992 = tpu.memref_squeeze %dma_start3A_991 : memref<1x8x512xf32, #tpu.memory_space<hbm>> -> memref<8x512xf32, #tpu.memory_space<hbm>>
        %dma_start3A_993 = arith.constant 0 : i32
        %dma_start3A_994 = tpu.memref_slice %arg11[%mul3A_939, %dma_start3A_993] : memref<128x512xf32, #tpu.memory_space<vmem>> -> memref<8x512xf32, #tpu.memory_space<vmem>>
        tpu.enqueue_dma source(%dma_start3A_994 : memref<8x512xf32, #tpu.memory_space<vmem>>) target(%dma_start3A_992 : memref<8x512xf32, #tpu.memory_space<hbm>>) target_semaphore(%arg20 : memref<!tpu.dma_semaphore, #tpu.memory_space<semaphore_mem>>)
      } else {
      }
      %mul3A_869 = arith.constant 7 : i32
      %mul3A_870 = arith.muli %scan3A_398, %mul3A_869 : i32
      %add3A_871 = arith.constant 6 : i32
      %add3A_872 = arith.addi %mul3A_870, %add3A_871 : i32
      %lt3A_873 = arith.constant 256 : i32
      %lt3A_874 = arith.cmpi slt, %add3A_872, %lt3A_873 : i32
      %convert_element_type3A_875 = arith.extui %lt3A_874 : i1 to i32
      %cond3A_876 = arith.constant 0 : i32
      %cond3A_877 = arith.cmpi ne, %convert_element_type3A_875, %cond3A_876 : i32
      scf.if %cond3A_877 {
        %jit3A_914 = arith.constant 16 : i32
        %div3A_915 = arith.divsi %add3A_872, %jit3A_914 : i32
        %sign3A_916 = arith.constant 0 : i32
        %sign3A_917 = arith.cmpi sgt, %add3A_872, %sign3A_916 : i32
        %sign3A_918 = arith.extui %sign3A_917 : i1 to i32
        %sign3A_919 = arith.constant 0 : i32
        %sign3A_920 = arith.cmpi slt, %add3A_872, %sign3A_919 : i32
        %sign3A_921 = arith.extui %sign3A_920 : i1 to i32
        %sign3A_922 = arith.subi %sign3A_918, %sign3A_921 : i32
        %sign3A_923 = arith.constant 0 : i32
        %sign3A_924 = arith.cmpi sgt, %jit3A_914, %sign3A_923 : i32
        %sign3A_925 = arith.extui %sign3A_924 : i1 to i32
        %sign3A_926 = arith.constant 0 : i32
        %sign3A_927 = arith.cmpi slt, %jit3A_914, %sign3A_926 : i32
        %sign3A_928 = arith.extui %sign3A_927 : i1 to i32
        %sign3A_929 = arith.subi %sign3A_925, %sign3A_928 : i32
        %ne3A_930 = arith.cmpi ne, %sign3A_922, %sign3A_929 : i32
        %rem3A_931 = arith.remsi %add3A_872, %jit3A_914 : i32
        %ne3A_932 = arith.constant 0 : i32
        %ne3A_933 = arith.cmpi ne, %rem3A_931, %ne3A_932 : i32
        %and3A_934 = arith.andi %ne3A_930, %ne3A_933 : i1
        %sub3A_935 = arith.constant 1 : i32
        %sub3A_936 = arith.subi %div3A_915, %sub3A_935 : i32
        %select_n3A_937 = arith.select %and3A_934, %sub3A_936, %div3A_915 : i32
        %mul3A_938 = arith.constant 8 : i32
        %mul3A_939 = arith.muli %select_n3A_937, %mul3A_938 : i32
        %jit3A_940 = arith.constant 16 : i32
        %div3A_941 = arith.divsi %add3A_872, %jit3A_940 : i32
        %sign3A_942 = arith.constant 0 : i32
        %sign3A_943 = arith.cmpi sgt, %add3A_872, %sign3A_942 : i32
        %sign3A_944 = arith.extui %sign3A_943 : i1 to i32
        %sign3A_945 = arith.constant 0 : i32
        %sign3A_946 = arith.cmpi slt, %add3A_872, %sign3A_945 : i32
        %sign3A_947 = arith.extui %sign3A_946 : i1 to i32
        %sign3A_948 = arith.subi %sign3A_944, %sign3A_947 : i32
        %sign3A_949 = arith.constant 0 : i32
        %sign3A_950 = arith.cmpi sgt, %jit3A_940, %sign3A_949 : i32
        %sign3A_951 = arith.extui %sign3A_950 : i1 to i32
        %sign3A_952 = arith.constant 0 : i32
        %sign3A_953 = arith.cmpi slt, %jit3A_940, %sign3A_952 : i32
        %sign3A_954 = arith.extui %sign3A_953 : i1 to i32
        %sign3A_955 = arith.subi %sign3A_951, %sign3A_954 : i32
        %ne3A_956 = arith.cmpi ne, %sign3A_948, %sign3A_955 : i32
        %rem3A_957 = arith.remsi %add3A_872, %jit3A_940 : i32
        %ne3A_958 = arith.constant 0 : i32
        %ne3A_959 = arith.cmpi ne, %rem3A_957, %ne3A_958 : i32
        %and3A_960 = arith.andi %ne3A_956, %ne3A_959 : i1
        %sub3A_961 = arith.constant 1 : i32
        %sub3A_962 = arith.subi %div3A_941, %sub3A_961 : i32
        %select_n3A_963 = arith.select %and3A_960, %sub3A_962, %div3A_941 : i32
        %jit3A_964 = arith.constant 16 : i32
        %eq3A_965 = arith.constant 0 : i32
        %eq3A_966 = arith.cmpi eq, %jit3A_964, %eq3A_965 : i32
        %jit3A_967 = arith.constant 1 : i32
        %select_n3A_968 = arith.select %eq3A_966, %jit3A_967, %jit3A_964 : i32
        %rem3A_969 = arith.remsi %add3A_872, %select_n3A_968 : i32
        %ne3A_970 = arith.constant 0 : i32
        %ne3A_971 = arith.cmpi ne, %rem3A_969, %ne3A_970 : i32
        %lt3A_972 = arith.constant 0 : i32
        %lt3A_973 = arith.cmpi slt, %rem3A_969, %lt3A_972 : i32
        %lt3A_974 = arith.constant 0 : i32
        %lt3A_975 = arith.cmpi slt, %select_n3A_968, %lt3A_974 : i32
        %ne3A_976 = arith.xori %lt3A_973, %lt3A_975 : i1
        %and3A_977 = arith.andi %ne3A_976, %ne3A_971 : i1
        %add3A_978 = arith.addi %rem3A_969, %select_n3A_968 : i32
        %select_n3A_979 = arith.select %and3A_977, %add3A_978, %rem3A_969 : i32
        %add3A_980 = arith.constant 1 : i32
        %add3A_981 = arith.addi %select_n3A_963, %add3A_980 : i32
        %mul3A_982 = arith.constant 8 : i32
        %mul3A_983 = arith.muli %select_n3A_979, %mul3A_982 : i32
        %add3A_984 = arith.addi %mul3A_2, %mul3A_983 : i32
        %dma_start3A_985 = arith.constant 0 : i32
        %dma_start3A_986 = tpu.memref_slice %arg11[%mul3A_939, %dma_start3A_985] : memref<128x512xf32, #tpu.memory_space<vmem>> -> memref<8x512xf32, #tpu.memory_space<vmem>>
        %dma_start3A_987 = arith.constant 0 : i32
        %dma_start3A_988 = tpu.memref_slice %arg5[%add3A_981, %add3A_984, %dma_start3A_987] : memref<36x4096x512xf32, #tpu.memory_space<hbm>> -> memref<1x8x512xf32, #tpu.memory_space<hbm>>
        %dma_start3A_989 = tpu.memref_squeeze %dma_start3A_988 : memref<1x8x512xf32, #tpu.memory_space<hbm>> -> memref<8x512xf32, #tpu.memory_space<hbm>>
        %dma_start3A_990 = arith.constant 0 : i32
        %dma_start3A_991 = tpu.memref_slice %arg5[%add3A_981, %add3A_984, %dma_start3A_990] : memref<36x4096x512xf32, #tpu.memory_space<hbm>> -> memref<1x8x512xf32, #tpu.memory_space<hbm>>
        %dma_start3A_992 = tpu.memref_squeeze %dma_start3A_991 : memref<1x8x512xf32, #tpu.memory_space<hbm>> -> memref<8x512xf32, #tpu.memory_space<hbm>>
        %dma_start3A_993 = arith.constant 0 : i32
        %dma_start3A_994 = tpu.memref_slice %arg11[%mul3A_939, %dma_start3A_993] : memref<128x512xf32, #tpu.memory_space<vmem>> -> memref<8x512xf32, #tpu.memory_space<vmem>>
        tpu.enqueue_dma source(%dma_start3A_994 : memref<8x512xf32, #tpu.memory_space<vmem>>) target(%dma_start3A_992 : memref<8x512xf32, #tpu.memory_space<hbm>>) target_semaphore(%arg20 : memref<!tpu.dma_semaphore, #tpu.memory_space<semaphore_mem>>)
      } else {
      }
      %add3A_878 = arith.constant 0 : i32
      %add3A_879 = arith.addi %mul3A_400, %add3A_878 : i32
      %add3A_880 = arith.constant 4 : i32
      %add3A_881 = arith.addi %add3A_879, %add3A_880 : i32
      %lt3A_882 = arith.constant 160 : i32
      %lt3A_883 = arith.cmpi slt, %add3A_881, %lt3A_882 : i32
      %convert_element_type3A_884 = arith.extui %lt3A_883 : i1 to i32
      %cond3A_885 = arith.constant 0 : i32
      %cond3A_886 = arith.cmpi ne, %convert_element_type3A_884, %cond3A_885 : i32
      scf.if %cond3A_886 {
        %jit3A_914 = arith.constant 8 : i32
        %div3A_915 = arith.divsi %add3A_879, %jit3A_914 : i32
        %sign3A_916 = arith.constant 0 : i32
        %sign3A_917 = arith.cmpi sgt, %add3A_879, %sign3A_916 : i32
        %sign3A_918 = arith.extui %sign3A_917 : i1 to i32
        %sign3A_919 = arith.constant 0 : i32
        %sign3A_920 = arith.cmpi slt, %add3A_879, %sign3A_919 : i32
        %sign3A_921 = arith.extui %sign3A_920 : i1 to i32
        %sign3A_922 = arith.subi %sign3A_918, %sign3A_921 : i32
        %sign3A_923 = arith.constant 0 : i32
        %sign3A_924 = arith.cmpi sgt, %jit3A_914, %sign3A_923 : i32
        %sign3A_925 = arith.extui %sign3A_924 : i1 to i32
        %sign3A_926 = arith.constant 0 : i32
        %sign3A_927 = arith.cmpi slt, %jit3A_914, %sign3A_926 : i32
        %sign3A_928 = arith.extui %sign3A_927 : i1 to i32
        %sign3A_929 = arith.subi %sign3A_925, %sign3A_928 : i32
        %ne3A_930 = arith.cmpi ne, %sign3A_922, %sign3A_929 : i32
        %rem3A_931 = arith.remsi %add3A_879, %jit3A_914 : i32
        %ne3A_932 = arith.constant 0 : i32
        %ne3A_933 = arith.cmpi ne, %rem3A_931, %ne3A_932 : i32
        %and3A_934 = arith.andi %ne3A_930, %ne3A_933 : i1
        %sub3A_935 = arith.constant 1 : i32
        %sub3A_936 = arith.subi %div3A_915, %sub3A_935 : i32
        %select_n3A_937 = arith.select %and3A_934, %sub3A_936, %div3A_915 : i32
        %jit3A_938 = arith.constant 8 : i32
        %eq3A_939 = arith.constant 0 : i32
        %eq3A_940 = arith.cmpi eq, %jit3A_938, %eq3A_939 : i32
        %jit3A_941 = arith.constant 1 : i32
        %select_n3A_942 = arith.select %eq3A_940, %jit3A_941, %jit3A_938 : i32
        %rem3A_943 = arith.remsi %add3A_879, %select_n3A_942 : i32
        %ne3A_944 = arith.constant 0 : i32
        %ne3A_945 = arith.cmpi ne, %rem3A_943, %ne3A_944 : i32
        %lt3A_946 = arith.constant 0 : i32
        %lt3A_947 = arith.cmpi slt, %rem3A_943, %lt3A_946 : i32
        %lt3A_948 = arith.constant 0 : i32
        %lt3A_949 = arith.cmpi slt, %select_n3A_942, %lt3A_948 : i32
        %ne3A_950 = arith.xori %lt3A_947, %lt3A_949 : i1
        %and3A_951 = arith.andi %ne3A_950, %ne3A_945 : i1
        %add3A_952 = arith.addi %rem3A_943, %select_n3A_942 : i32
        %select_n3A_953 = arith.select %and3A_951, %add3A_952, %rem3A_943 : i32
        %eq3A_954 = arith.constant 0 : i32
        %eq3A_955 = arith.cmpi eq, %select_n3A_937, %eq3A_954 : i32
        %add3A_956 = arith.constant 16 : i32
        %add3A_957 = arith.addi %select_n3A_937, %add3A_956 : i32
        %jit3A_958 = arith.constant 0 : i32
        %select_n3A_959 = arith.select %eq3A_955, %jit3A_958, %add3A_957 : i32
        %mul3A_960 = arith.constant 16 : i32
        %mul3A_961 = arith.muli %select_n3A_953, %mul3A_960 : i32
        %add3A_962 = arith.addi %mul3A_2, %mul3A_961 : i32
        %dma_wait3A_963 = arith.constant 0 : i32
        %dma_wait3A_964 = tpu.memref_slice %arg5[%select_n3A_959, %add3A_962, %dma_wait3A_963] : memref<36x4096x512xf32, #tpu.memory_space<hbm>> -> memref<1x16x512xf32, #tpu.memory_space<hbm>>
        %dma_wait3A_965 = tpu.memref_squeeze %dma_wait3A_964 : memref<1x16x512xf32, #tpu.memory_space<hbm>> -> memref<16x512xf32, #tpu.memory_space<hbm>>
        %dma_wait3A_966 = arith.constant 0 : i32
        %dma_wait3A_967 = tpu.memref_slice %arg5[%select_n3A_959, %add3A_962, %dma_wait3A_966] : memref<36x4096x512xf32, #tpu.memory_space<hbm>> -> memref<1x16x512xf32, #tpu.memory_space<hbm>>
        %dma_wait3A_968 = tpu.memref_squeeze %dma_wait3A_967 : memref<1x16x512xf32, #tpu.memory_space<hbm>> -> memref<16x512xf32, #tpu.memory_space<hbm>>
        tpu.wait_dma2 semaphore(%arg16 : memref<!tpu.dma_semaphore, #tpu.memory_space<semaphore_mem>>) src(%arg7 : memref<16x512xf32, #tpu.memory_space<vmem>>) dst(%dma_wait3A_968 : memref<16x512xf32, #tpu.memory_space<hbm>>)
        %jit3A_969 = arith.constant 8 : i32
        %div3A_970 = arith.divsi %add3A_881, %jit3A_969 : i32
        %sign3A_971 = arith.constant 0 : i32
        %sign3A_972 = arith.cmpi sgt, %add3A_881, %sign3A_971 : i32
        %sign3A_973 = arith.extui %sign3A_972 : i1 to i32
        %sign3A_974 = arith.constant 0 : i32
        %sign3A_975 = arith.cmpi slt, %add3A_881, %sign3A_974 : i32
        %sign3A_976 = arith.extui %sign3A_975 : i1 to i32
        %sign3A_977 = arith.subi %sign3A_973, %sign3A_976 : i32
        %sign3A_978 = arith.constant 0 : i32
        %sign3A_979 = arith.cmpi sgt, %jit3A_969, %sign3A_978 : i32
        %sign3A_980 = arith.extui %sign3A_979 : i1 to i32
        %sign3A_981 = arith.constant 0 : i32
        %sign3A_982 = arith.cmpi slt, %jit3A_969, %sign3A_981 : i32
        %sign3A_983 = arith.extui %sign3A_982 : i1 to i32
        %sign3A_984 = arith.subi %sign3A_980, %sign3A_983 : i32
        %ne3A_985 = arith.cmpi ne, %sign3A_977, %sign3A_984 : i32
        %rem3A_986 = arith.remsi %add3A_881, %jit3A_969 : i32
        %ne3A_987 = arith.constant 0 : i32
        %ne3A_988 = arith.cmpi ne, %rem3A_986, %ne3A_987 : i32
        %and3A_989 = arith.andi %ne3A_985, %ne3A_988 : i1
        %sub3A_990 = arith.constant 1 : i32
        %sub3A_991 = arith.subi %div3A_970, %sub3A_990 : i32
        %select_n3A_992 = arith.select %and3A_989, %sub3A_991, %div3A_970 : i32
        %jit3A_993 = arith.constant 8 : i32
        %eq3A_994 = arith.constant 0 : i32
        %eq3A_995 = arith.cmpi eq, %jit3A_993, %eq3A_994 : i32
        %jit3A_996 = arith.constant 1 : i32
        %select_n3A_997 = arith.select %eq3A_995, %jit3A_996, %jit3A_993 : i32
        %rem3A_998 = arith.remsi %add3A_881, %select_n3A_997 : i32
        %ne3A_999 = arith.constant 0 : i32
        %ne3A_1000 = arith.cmpi ne, %rem3A_998, %ne3A_999 : i32
        %lt3A_1001 = arith.constant 0 : i32
        %lt3A_1002 = arith.cmpi slt, %rem3A_998, %lt3A_1001 : i32
        %lt3A_1003 = arith.constant 0 : i32
        %lt3A_1004 = arith.cmpi slt, %select_n3A_997, %lt3A_1003 : i32
        %ne3A_1005 = arith.xori %lt3A_1002, %lt3A_1004 : i1
        %and3A_1006 = arith.andi %ne3A_1005, %ne3A_1000 : i1
        %add3A_1007 = arith.addi %rem3A_998, %select_n3A_997 : i32
        %select_n3A_1008 = arith.select %and3A_1006, %add3A_1007, %rem3A_998 : i32
        %mul3A_1009 = arith.constant 128 : i32
        %mul3A_1010 = arith.muli %select_n3A_992, %mul3A_1009 : i32
        %mul3A_1011 = arith.constant 16 : i32
        %mul3A_1012 = arith.muli %select_n3A_1008, %mul3A_1011 : i32
        %add3A_1013 = arith.addi %mul3A_1010, %mul3A_1012 : i32
        %dma_start3A_1014 = tpu.memref_slice %arg6[%add3A_1013] : memref<2560xi32, #tpu.memory_space<vmem>> -> memref<16xi32, #tpu.memory_space<vmem>>
        %dma_start3A_1015 = arith.constant 0 : i32
        %dma_start3A_1016 = arith.constant 0 : i32
        %dma_start3A_1017 = tpu.memref_slice %arg3[%dma_start3A_1015, %dma_start3A_1016] : memref<49408x512xf32, #tpu.memory_space<hbm>> -> memref<49408x512xf32, #tpu.memory_space<hbm>>
        tpu.enqueue_indirect_dma source(%dma_start3A_1017 : memref<49408x512xf32, #tpu.memory_space<hbm>>) target(%arg7 : memref<16x512xf32, #tpu.memory_space<vmem>>) offsets(%dma_start3A_1014 : memref<16xi32, #tpu.memory_space<vmem>>) semaphore(%arg12 : memref<!tpu.dma_semaphore, #tpu.memory_space<semaphore_mem>>)
      } else {
      }
      %add3A_887 = arith.constant 1 : i32
      %add3A_888 = arith.addi %mul3A_400, %add3A_887 : i32
      %add3A_889 = arith.constant 4 : i32
      %add3A_890 = arith.addi %add3A_888, %add3A_889 : i32
      %lt3A_891 = arith.constant 160 : i32
      %lt3A_892 = arith.cmpi slt, %add3A_890, %lt3A_891 : i32
      %convert_element_type3A_893 = arith.extui %lt3A_892 : i1 to i32
      %cond3A_894 = arith.constant 0 : i32
      %cond3A_895 = arith.cmpi ne, %convert_element_type3A_893, %cond3A_894 : i32
      scf.if %cond3A_895 {
        %jit3A_914 = arith.constant 8 : i32
        %div3A_915 = arith.divsi %add3A_888, %jit3A_914 : i32
        %sign3A_916 = arith.constant 0 : i32
        %sign3A_917 = arith.cmpi sgt, %add3A_888, %sign3A_916 : i32
        %sign3A_918 = arith.extui %sign3A_917 : i1 to i32
        %sign3A_919 = arith.constant 0 : i32
        %sign3A_920 = arith.cmpi slt, %add3A_888, %sign3A_919 : i32
        %sign3A_921 = arith.extui %sign3A_920 : i1 to i32
        %sign3A_922 = arith.subi %sign3A_918, %sign3A_921 : i32
        %sign3A_923 = arith.constant 0 : i32
        %sign3A_924 = arith.cmpi sgt, %jit3A_914, %sign3A_923 : i32
        %sign3A_925 = arith.extui %sign3A_924 : i1 to i32
        %sign3A_926 = arith.constant 0 : i32
        %sign3A_927 = arith.cmpi slt, %jit3A_914, %sign3A_926 : i32
        %sign3A_928 = arith.extui %sign3A_927 : i1 to i32
        %sign3A_929 = arith.subi %sign3A_925, %sign3A_928 : i32
        %ne3A_930 = arith.cmpi ne, %sign3A_922, %sign3A_929 : i32
        %rem3A_931 = arith.remsi %add3A_888, %jit3A_914 : i32
        %ne3A_932 = arith.constant 0 : i32
        %ne3A_933 = arith.cmpi ne, %rem3A_931, %ne3A_932 : i32
        %and3A_934 = arith.andi %ne3A_930, %ne3A_933 : i1
        %sub3A_935 = arith.constant 1 : i32
        %sub3A_936 = arith.subi %div3A_915, %sub3A_935 : i32
        %select_n3A_937 = arith.select %and3A_934, %sub3A_936, %div3A_915 : i32
        %jit3A_938 = arith.constant 8 : i32
        %eq3A_939 = arith.constant 0 : i32
        %eq3A_940 = arith.cmpi eq, %jit3A_938, %eq3A_939 : i32
        %jit3A_941 = arith.constant 1 : i32
        %select_n3A_942 = arith.select %eq3A_940, %jit3A_941, %jit3A_938 : i32
        %rem3A_943 = arith.remsi %add3A_888, %select_n3A_942 : i32
        %ne3A_944 = arith.constant 0 : i32
        %ne3A_945 = arith.cmpi ne, %rem3A_943, %ne3A_944 : i32
        %lt3A_946 = arith.constant 0 : i32
        %lt3A_947 = arith.cmpi slt, %rem3A_943, %lt3A_946 : i32
        %lt3A_948 = arith.constant 0 : i32
        %lt3A_949 = arith.cmpi slt, %select_n3A_942, %lt3A_948 : i32
        %ne3A_950 = arith.xori %lt3A_947, %lt3A_949 : i1
        %and3A_951 = arith.andi %ne3A_950, %ne3A_945 : i1
        %add3A_952 = arith.addi %rem3A_943, %select_n3A_942 : i32
        %select_n3A_953 = arith.select %and3A_951, %add3A_952, %rem3A_943 : i32
        %eq3A_954 = arith.constant 0 : i32
        %eq3A_955 = arith.cmpi eq, %select_n3A_937, %eq3A_954 : i32
        %add3A_956 = arith.constant 16 : i32
        %add3A_957 = arith.addi %select_n3A_937, %add3A_956 : i32
        %jit3A_958 = arith.constant 0 : i32
        %select_n3A_959 = arith.select %eq3A_955, %jit3A_958, %add3A_957 : i32
        %mul3A_960 = arith.constant 16 : i32
        %mul3A_961 = arith.muli %select_n3A_953, %mul3A_960 : i32
        %add3A_962 = arith.addi %mul3A_2, %mul3A_961 : i32
        %dma_wait3A_963 = arith.constant 0 : i32
        %dma_wait3A_964 = tpu.memref_slice %arg5[%select_n3A_959, %add3A_962, %dma_wait3A_963] : memref<36x4096x512xf32, #tpu.memory_space<hbm>> -> memref<1x16x512xf32, #tpu.memory_space<hbm>>
        %dma_wait3A_965 = tpu.memref_squeeze %dma_wait3A_964 : memref<1x16x512xf32, #tpu.memory_space<hbm>> -> memref<16x512xf32, #tpu.memory_space<hbm>>
        %dma_wait3A_966 = arith.constant 0 : i32
        %dma_wait3A_967 = tpu.memref_slice %arg5[%select_n3A_959, %add3A_962, %dma_wait3A_966] : memref<36x4096x512xf32, #tpu.memory_space<hbm>> -> memref<1x16x512xf32, #tpu.memory_space<hbm>>
        %dma_wait3A_968 = tpu.memref_squeeze %dma_wait3A_967 : memref<1x16x512xf32, #tpu.memory_space<hbm>> -> memref<16x512xf32, #tpu.memory_space<hbm>>
        tpu.wait_dma2 semaphore(%arg17 : memref<!tpu.dma_semaphore, #tpu.memory_space<semaphore_mem>>) src(%arg8 : memref<16x512xf32, #tpu.memory_space<vmem>>) dst(%dma_wait3A_968 : memref<16x512xf32, #tpu.memory_space<hbm>>)
        %jit3A_969 = arith.constant 8 : i32
        %div3A_970 = arith.divsi %add3A_890, %jit3A_969 : i32
        %sign3A_971 = arith.constant 0 : i32
        %sign3A_972 = arith.cmpi sgt, %add3A_890, %sign3A_971 : i32
        %sign3A_973 = arith.extui %sign3A_972 : i1 to i32
        %sign3A_974 = arith.constant 0 : i32
        %sign3A_975 = arith.cmpi slt, %add3A_890, %sign3A_974 : i32
        %sign3A_976 = arith.extui %sign3A_975 : i1 to i32
        %sign3A_977 = arith.subi %sign3A_973, %sign3A_976 : i32
        %sign3A_978 = arith.constant 0 : i32
        %sign3A_979 = arith.cmpi sgt, %jit3A_969, %sign3A_978 : i32
        %sign3A_980 = arith.extui %sign3A_979 : i1 to i32
        %sign3A_981 = arith.constant 0 : i32
        %sign3A_982 = arith.cmpi slt, %jit3A_969, %sign3A_981 : i32
        %sign3A_983 = arith.extui %sign3A_982 : i1 to i32
        %sign3A_984 = arith.subi %sign3A_980, %sign3A_983 : i32
        %ne3A_985 = arith.cmpi ne, %sign3A_977, %sign3A_984 : i32
        %rem3A_986 = arith.remsi %add3A_890, %jit3A_969 : i32
        %ne3A_987 = arith.constant 0 : i32
        %ne3A_988 = arith.cmpi ne, %rem3A_986, %ne3A_987 : i32
        %and3A_989 = arith.andi %ne3A_985, %ne3A_988 : i1
        %sub3A_990 = arith.constant 1 : i32
        %sub3A_991 = arith.subi %div3A_970, %sub3A_990 : i32
        %select_n3A_992 = arith.select %and3A_989, %sub3A_991, %div3A_970 : i32
        %jit3A_993 = arith.constant 8 : i32
        %eq3A_994 = arith.constant 0 : i32
        %eq3A_995 = arith.cmpi eq, %jit3A_993, %eq3A_994 : i32
        %jit3A_996 = arith.constant 1 : i32
        %select_n3A_997 = arith.select %eq3A_995, %jit3A_996, %jit3A_993 : i32
        %rem3A_998 = arith.remsi %add3A_890, %select_n3A_997 : i32
        %ne3A_999 = arith.constant 0 : i32
        %ne3A_1000 = arith.cmpi ne, %rem3A_998, %ne3A_999 : i32
        %lt3A_1001 = arith.constant 0 : i32
        %lt3A_1002 = arith.cmpi slt, %rem3A_998, %lt3A_1001 : i32
        %lt3A_1003 = arith.constant 0 : i32
        %lt3A_1004 = arith.cmpi slt, %select_n3A_997, %lt3A_1003 : i32
        %ne3A_1005 = arith.xori %lt3A_1002, %lt3A_1004 : i1
        %and3A_1006 = arith.andi %ne3A_1005, %ne3A_1000 : i1
        %add3A_1007 = arith.addi %rem3A_998, %select_n3A_997 : i32
        %select_n3A_1008 = arith.select %and3A_1006, %add3A_1007, %rem3A_998 : i32
        %mul3A_1009 = arith.constant 128 : i32
        %mul3A_1010 = arith.muli %select_n3A_992, %mul3A_1009 : i32
        %mul3A_1011 = arith.constant 16 : i32
        %mul3A_1012 = arith.muli %select_n3A_1008, %mul3A_1011 : i32
        %add3A_1013 = arith.addi %mul3A_1010, %mul3A_1012 : i32
        %dma_start3A_1014 = tpu.memref_slice %arg6[%add3A_1013] : memref<2560xi32, #tpu.memory_space<vmem>> -> memref<16xi32, #tpu.memory_space<vmem>>
        %dma_start3A_1015 = arith.constant 0 : i32
        %dma_start3A_1016 = arith.constant 0 : i32
        %dma_start3A_1017 = tpu.memref_slice %arg3[%dma_start3A_1015, %dma_start3A_1016] : memref<49408x512xf32, #tpu.memory_space<hbm>> -> memref<49408x512xf32, #tpu.memory_space<hbm>>
        tpu.enqueue_indirect_dma source(%dma_start3A_1017 : memref<49408x512xf32, #tpu.memory_space<hbm>>) target(%arg8 : memref<16x512xf32, #tpu.memory_space<vmem>>) offsets(%dma_start3A_1014 : memref<16xi32, #tpu.memory_space<vmem>>) semaphore(%arg13 : memref<!tpu.dma_semaphore, #tpu.memory_space<semaphore_mem>>)
      } else {
      }
      %add3A_896 = arith.constant 2 : i32
      %add3A_897 = arith.addi %mul3A_400, %add3A_896 : i32
      %add3A_898 = arith.constant 4 : i32
      %add3A_899 = arith.addi %add3A_897, %add3A_898 : i32
      %lt3A_900 = arith.constant 160 : i32
      %lt3A_901 = arith.cmpi slt, %add3A_899, %lt3A_900 : i32
      %convert_element_type3A_902 = arith.extui %lt3A_901 : i1 to i32
      %cond3A_903 = arith.constant 0 : i32
      %cond3A_904 = arith.cmpi ne, %convert_element_type3A_902, %cond3A_903 : i32
      scf.if %cond3A_904 {
        %jit3A_914 = arith.constant 8 : i32
        %div3A_915 = arith.divsi %add3A_897, %jit3A_914 : i32
        %sign3A_916 = arith.constant 0 : i32
        %sign3A_917 = arith.cmpi sgt, %add3A_897, %sign3A_916 : i32
        %sign3A_918 = arith.extui %sign3A_917 : i1 to i32
        %sign3A_919 = arith.constant 0 : i32
        %sign3A_920 = arith.cmpi slt, %add3A_897, %sign3A_919 : i32
        %sign3A_921 = arith.extui %sign3A_920 : i1 to i32
        %sign3A_922 = arith.subi %sign3A_918, %sign3A_921 : i32
        %sign3A_923 = arith.constant 0 : i32
        %sign3A_924 = arith.cmpi sgt, %jit3A_914, %sign3A_923 : i32
        %sign3A_925 = arith.extui %sign3A_924 : i1 to i32
        %sign3A_926 = arith.constant 0 : i32
        %sign3A_927 = arith.cmpi slt, %jit3A_914, %sign3A_926 : i32
        %sign3A_928 = arith.extui %sign3A_927 : i1 to i32
        %sign3A_929 = arith.subi %sign3A_925, %sign3A_928 : i32
        %ne3A_930 = arith.cmpi ne, %sign3A_922, %sign3A_929 : i32
        %rem3A_931 = arith.remsi %add3A_897, %jit3A_914 : i32
        %ne3A_932 = arith.constant 0 : i32
        %ne3A_933 = arith.cmpi ne, %rem3A_931, %ne3A_932 : i32
        %and3A_934 = arith.andi %ne3A_930, %ne3A_933 : i1
        %sub3A_935 = arith.constant 1 : i32
        %sub3A_936 = arith.subi %div3A_915, %sub3A_935 : i32
        %select_n3A_937 = arith.select %and3A_934, %sub3A_936, %div3A_915 : i32
        %jit3A_938 = arith.constant 8 : i32
        %eq3A_939 = arith.constant 0 : i32
        %eq3A_940 = arith.cmpi eq, %jit3A_938, %eq3A_939 : i32
        %jit3A_941 = arith.constant 1 : i32
        %select_n3A_942 = arith.select %eq3A_940, %jit3A_941, %jit3A_938 : i32
        %rem3A_943 = arith.remsi %add3A_897, %select_n3A_942 : i32
        %ne3A_944 = arith.constant 0 : i32
        %ne3A_945 = arith.cmpi ne, %rem3A_943, %ne3A_944 : i32
        %lt3A_946 = arith.constant 0 : i32
        %lt3A_947 = arith.cmpi slt, %rem3A_943, %lt3A_946 : i32
        %lt3A_948 = arith.constant 0 : i32
        %lt3A_949 = arith.cmpi slt, %select_n3A_942, %lt3A_948 : i32
        %ne3A_950 = arith.xori %lt3A_947, %lt3A_949 : i1
        %and3A_951 = arith.andi %ne3A_950, %ne3A_945 : i1
        %add3A_952 = arith.addi %rem3A_943, %select_n3A_942 : i32
        %select_n3A_953 = arith.select %and3A_951, %add3A_952, %rem3A_943 : i32
        %eq3A_954 = arith.constant 0 : i32
        %eq3A_955 = arith.cmpi eq, %select_n3A_937, %eq3A_954 : i32
        %add3A_956 = arith.constant 16 : i32
        %add3A_957 = arith.addi %select_n3A_937, %add3A_956 : i32
        %jit3A_958 = arith.constant 0 : i32
        %select_n3A_959 = arith.select %eq3A_955, %jit3A_958, %add3A_957 : i32
        %mul3A_960 = arith.constant 16 : i32
        %mul3A_961 = arith.muli %select_n3A_953, %mul3A_960 : i32
        %add3A_962 = arith.addi %mul3A_2, %mul3A_961 : i32
        %dma_wait3A_963 = arith.constant 0 : i32
        %dma_wait3A_964 = tpu.memref_slice %arg5[%select_n3A_959, %add3A_962, %dma_wait3A_963] : memref<36x4096x512xf32, #tpu.memory_space<hbm>> -> memref<1x16x512xf32, #tpu.memory_space<hbm>>
        %dma_wait3A_965 = tpu.memref_squeeze %dma_wait3A_964 : memref<1x16x512xf32, #tpu.memory_space<hbm>> -> memref<16x512xf32, #tpu.memory_space<hbm>>
        %dma_wait3A_966 = arith.constant 0 : i32
        %dma_wait3A_967 = tpu.memref_slice %arg5[%select_n3A_959, %add3A_962, %dma_wait3A_966] : memref<36x4096x512xf32, #tpu.memory_space<hbm>> -> memref<1x16x512xf32, #tpu.memory_space<hbm>>
        %dma_wait3A_968 = tpu.memref_squeeze %dma_wait3A_967 : memref<1x16x512xf32, #tpu.memory_space<hbm>> -> memref<16x512xf32, #tpu.memory_space<hbm>>
        tpu.wait_dma2 semaphore(%arg18 : memref<!tpu.dma_semaphore, #tpu.memory_space<semaphore_mem>>) src(%arg9 : memref<16x512xf32, #tpu.memory_space<vmem>>) dst(%dma_wait3A_968 : memref<16x512xf32, #tpu.memory_space<hbm>>)
        %jit3A_969 = arith.constant 8 : i32
        %div3A_970 = arith.divsi %add3A_899, %jit3A_969 : i32
        %sign3A_971 = arith.constant 0 : i32
        %sign3A_972 = arith.cmpi sgt, %add3A_899, %sign3A_971 : i32
        %sign3A_973 = arith.extui %sign3A_972 : i1 to i32
        %sign3A_974 = arith.constant 0 : i32
        %sign3A_975 = arith.cmpi slt, %add3A_899, %sign3A_974 : i32
        %sign3A_976 = arith.extui %sign3A_975 : i1 to i32
        %sign3A_977 = arith.subi %sign3A_973, %sign3A_976 : i32
        %sign3A_978 = arith.constant 0 : i32
        %sign3A_979 = arith.cmpi sgt, %jit3A_969, %sign3A_978 : i32
        %sign3A_980 = arith.extui %sign3A_979 : i1 to i32
        %sign3A_981 = arith.constant 0 : i32
        %sign3A_982 = arith.cmpi slt, %jit3A_969, %sign3A_981 : i32
        %sign3A_983 = arith.extui %sign3A_982 : i1 to i32
        %sign3A_984 = arith.subi %sign3A_980, %sign3A_983 : i32
        %ne3A_985 = arith.cmpi ne, %sign3A_977, %sign3A_984 : i32
        %rem3A_986 = arith.remsi %add3A_899, %jit3A_969 : i32
        %ne3A_987 = arith.constant 0 : i32
        %ne3A_988 = arith.cmpi ne, %rem3A_986, %ne3A_987 : i32
        %and3A_989 = arith.andi %ne3A_985, %ne3A_988 : i1
        %sub3A_990 = arith.constant 1 : i32
        %sub3A_991 = arith.subi %div3A_970, %sub3A_990 : i32
        %select_n3A_992 = arith.select %and3A_989, %sub3A_991, %div3A_970 : i32
        %jit3A_993 = arith.constant 8 : i32
        %eq3A_994 = arith.constant 0 : i32
        %eq3A_995 = arith.cmpi eq, %jit3A_993, %eq3A_994 : i32
        %jit3A_996 = arith.constant 1 : i32
        %select_n3A_997 = arith.select %eq3A_995, %jit3A_996, %jit3A_993 : i32
        %rem3A_998 = arith.remsi %add3A_899, %select_n3A_997 : i32
        %ne3A_999 = arith.constant 0 : i32
        %ne3A_1000 = arith.cmpi ne, %rem3A_998, %ne3A_999 : i32
        %lt3A_1001 = arith.constant 0 : i32
        %lt3A_1002 = arith.cmpi slt, %rem3A_998, %lt3A_1001 : i32
        %lt3A_1003 = arith.constant 0 : i32
        %lt3A_1004 = arith.cmpi slt, %select_n3A_997, %lt3A_1003 : i32
        %ne3A_1005 = arith.xori %lt3A_1002, %lt3A_1004 : i1
        %and3A_1006 = arith.andi %ne3A_1005, %ne3A_1000 : i1
        %add3A_1007 = arith.addi %rem3A_998, %select_n3A_997 : i32
        %select_n3A_1008 = arith.select %and3A_1006, %add3A_1007, %rem3A_998 : i32
        %mul3A_1009 = arith.constant 128 : i32
        %mul3A_1010 = arith.muli %select_n3A_992, %mul3A_1009 : i32
        %mul3A_1011 = arith.constant 16 : i32
        %mul3A_1012 = arith.muli %select_n3A_1008, %mul3A_1011 : i32
        %add3A_1013 = arith.addi %mul3A_1010, %mul3A_1012 : i32
        %dma_start3A_1014 = tpu.memref_slice %arg6[%add3A_1013] : memref<2560xi32, #tpu.memory_space<vmem>> -> memref<16xi32, #tpu.memory_space<vmem>>
        %dma_start3A_1015 = arith.constant 0 : i32
        %dma_start3A_1016 = arith.constant 0 : i32
        %dma_start3A_1017 = tpu.memref_slice %arg3[%dma_start3A_1015, %dma_start3A_1016] : memref<49408x512xf32, #tpu.memory_space<hbm>> -> memref<49408x512xf32, #tpu.memory_space<hbm>>
        tpu.enqueue_indirect_dma source(%dma_start3A_1017 : memref<49408x512xf32, #tpu.memory_space<hbm>>) target(%arg9 : memref<16x512xf32, #tpu.memory_space<vmem>>) offsets(%dma_start3A_1014 : memref<16xi32, #tpu.memory_space<vmem>>) semaphore(%arg14 : memref<!tpu.dma_semaphore, #tpu.memory_space<semaphore_mem>>)
      } else {
      }
      %add3A_905 = arith.constant 3 : i32
      %add3A_906 = arith.addi %mul3A_400, %add3A_905 : i32
      %add3A_907 = arith.constant 4 : i32
      %add3A_908 = arith.addi %add3A_906, %add3A_907 : i32
      %lt3A_909 = arith.constant 160 : i32
      %lt3A_910 = arith.cmpi slt, %add3A_908, %lt3A_909 : i32
      %convert_element_type3A_911 = arith.extui %lt3A_910 : i1 to i32
      %cond3A_912 = arith.constant 0 : i32
      %cond3A_913 = arith.cmpi ne, %convert_element_type3A_911, %cond3A_912 : i32
      scf.if %cond3A_913 {
        %jit3A_914 = arith.constant 8 : i32
        %div3A_915 = arith.divsi %add3A_906, %jit3A_914 : i32
        %sign3A_916 = arith.constant 0 : i32
        %sign3A_917 = arith.cmpi sgt, %add3A_906, %sign3A_916 : i32
        %sign3A_918 = arith.extui %sign3A_917 : i1 to i32
        %sign3A_919 = arith.constant 0 : i32
        %sign3A_920 = arith.cmpi slt, %add3A_906, %sign3A_919 : i32
        %sign3A_921 = arith.extui %sign3A_920 : i1 to i32
        %sign3A_922 = arith.subi %sign3A_918, %sign3A_921 : i32
        %sign3A_923 = arith.constant 0 : i32
        %sign3A_924 = arith.cmpi sgt, %jit3A_914, %sign3A_923 : i32
        %sign3A_925 = arith.extui %sign3A_924 : i1 to i32
        %sign3A_926 = arith.constant 0 : i32
        %sign3A_927 = arith.cmpi slt, %jit3A_914, %sign3A_926 : i32
        %sign3A_928 = arith.extui %sign3A_927 : i1 to i32
        %sign3A_929 = arith.subi %sign3A_925, %sign3A_928 : i32
        %ne3A_930 = arith.cmpi ne, %sign3A_922, %sign3A_929 : i32
        %rem3A_931 = arith.remsi %add3A_906, %jit3A_914 : i32
        %ne3A_932 = arith.constant 0 : i32
        %ne3A_933 = arith.cmpi ne, %rem3A_931, %ne3A_932 : i32
        %and3A_934 = arith.andi %ne3A_930, %ne3A_933 : i1
        %sub3A_935 = arith.constant 1 : i32
        %sub3A_936 = arith.subi %div3A_915, %sub3A_935 : i32
        %select_n3A_937 = arith.select %and3A_934, %sub3A_936, %div3A_915 : i32
        %jit3A_938 = arith.constant 8 : i32
        %eq3A_939 = arith.constant 0 : i32
        %eq3A_940 = arith.cmpi eq, %jit3A_938, %eq3A_939 : i32
        %jit3A_941 = arith.constant 1 : i32
        %select_n3A_942 = arith.select %eq3A_940, %jit3A_941, %jit3A_938 : i32
        %rem3A_943 = arith.remsi %add3A_906, %select_n3A_942 : i32
        %ne3A_944 = arith.constant 0 : i32
        %ne3A_945 = arith.cmpi ne, %rem3A_943, %ne3A_944 : i32
        %lt3A_946 = arith.constant 0 : i32
        %lt3A_947 = arith.cmpi slt, %rem3A_943, %lt3A_946 : i32
        %lt3A_948 = arith.constant 0 : i32
        %lt3A_949 = arith.cmpi slt, %select_n3A_942, %lt3A_948 : i32
        %ne3A_950 = arith.xori %lt3A_947, %lt3A_949 : i1
        %and3A_951 = arith.andi %ne3A_950, %ne3A_945 : i1
        %add3A_952 = arith.addi %rem3A_943, %select_n3A_942 : i32
        %select_n3A_953 = arith.select %and3A_951, %add3A_952, %rem3A_943 : i32
        %eq3A_954 = arith.constant 0 : i32
        %eq3A_955 = arith.cmpi eq, %select_n3A_937, %eq3A_954 : i32
        %add3A_956 = arith.constant 16 : i32
        %add3A_957 = arith.addi %select_n3A_937, %add3A_956 : i32
        %jit3A_958 = arith.constant 0 : i32
        %select_n3A_959 = arith.select %eq3A_955, %jit3A_958, %add3A_957 : i32
        %mul3A_960 = arith.constant 16 : i32
        %mul3A_961 = arith.muli %select_n3A_953, %mul3A_960 : i32
        %add3A_962 = arith.addi %mul3A_2, %mul3A_961 : i32
        %dma_wait3A_963 = arith.constant 0 : i32
        %dma_wait3A_964 = tpu.memref_slice %arg5[%select_n3A_959, %add3A_962, %dma_wait3A_963] : memref<36x4096x512xf32, #tpu.memory_space<hbm>> -> memref<1x16x512xf32, #tpu.memory_space<hbm>>
        %dma_wait3A_965 = tpu.memref_squeeze %dma_wait3A_964 : memref<1x16x512xf32, #tpu.memory_space<hbm>> -> memref<16x512xf32, #tpu.memory_space<hbm>>
        %dma_wait3A_966 = arith.constant 0 : i32
        %dma_wait3A_967 = tpu.memref_slice %arg5[%select_n3A_959, %add3A_962, %dma_wait3A_966] : memref<36x4096x512xf32, #tpu.memory_space<hbm>> -> memref<1x16x512xf32, #tpu.memory_space<hbm>>
        %dma_wait3A_968 = tpu.memref_squeeze %dma_wait3A_967 : memref<1x16x512xf32, #tpu.memory_space<hbm>> -> memref<16x512xf32, #tpu.memory_space<hbm>>
        tpu.wait_dma2 semaphore(%arg19 : memref<!tpu.dma_semaphore, #tpu.memory_space<semaphore_mem>>) src(%arg10 : memref<16x512xf32, #tpu.memory_space<vmem>>) dst(%dma_wait3A_968 : memref<16x512xf32, #tpu.memory_space<hbm>>)
        %jit3A_969 = arith.constant 8 : i32
        %div3A_970 = arith.divsi %add3A_908, %jit3A_969 : i32
        %sign3A_971 = arith.constant 0 : i32
        %sign3A_972 = arith.cmpi sgt, %add3A_908, %sign3A_971 : i32
        %sign3A_973 = arith.extui %sign3A_972 : i1 to i32
        %sign3A_974 = arith.constant 0 : i32
        %sign3A_975 = arith.cmpi slt, %add3A_908, %sign3A_974 : i32
        %sign3A_976 = arith.extui %sign3A_975 : i1 to i32
        %sign3A_977 = arith.subi %sign3A_973, %sign3A_976 : i32
        %sign3A_978 = arith.constant 0 : i32
        %sign3A_979 = arith.cmpi sgt, %jit3A_969, %sign3A_978 : i32
        %sign3A_980 = arith.extui %sign3A_979 : i1 to i32
        %sign3A_981 = arith.constant 0 : i32
        %sign3A_982 = arith.cmpi slt, %jit3A_969, %sign3A_981 : i32
        %sign3A_983 = arith.extui %sign3A_982 : i1 to i32
        %sign3A_984 = arith.subi %sign3A_980, %sign3A_983 : i32
        %ne3A_985 = arith.cmpi ne, %sign3A_977, %sign3A_984 : i32
        %rem3A_986 = arith.remsi %add3A_908, %jit3A_969 : i32
        %ne3A_987 = arith.constant 0 : i32
        %ne3A_988 = arith.cmpi ne, %rem3A_986, %ne3A_987 : i32
        %and3A_989 = arith.andi %ne3A_985, %ne3A_988 : i1
        %sub3A_990 = arith.constant 1 : i32
        %sub3A_991 = arith.subi %div3A_970, %sub3A_990 : i32
        %select_n3A_992 = arith.select %and3A_989, %sub3A_991, %div3A_970 : i32
        %jit3A_993 = arith.constant 8 : i32
        %eq3A_994 = arith.constant 0 : i32
        %eq3A_995 = arith.cmpi eq, %jit3A_993, %eq3A_994 : i32
        %jit3A_996 = arith.constant 1 : i32
        %select_n3A_997 = arith.select %eq3A_995, %jit3A_996, %jit3A_993 : i32
        %rem3A_998 = arith.remsi %add3A_908, %select_n3A_997 : i32
        %ne3A_999 = arith.constant 0 : i32
        %ne3A_1000 = arith.cmpi ne, %rem3A_998, %ne3A_999 : i32
        %lt3A_1001 = arith.constant 0 : i32
        %lt3A_1002 = arith.cmpi slt, %rem3A_998, %lt3A_1001 : i32
        %lt3A_1003 = arith.constant 0 : i32
        %lt3A_1004 = arith.cmpi slt, %select_n3A_997, %lt3A_1003 : i32
        %ne3A_1005 = arith.xori %lt3A_1002, %lt3A_1004 : i1
        %and3A_1006 = arith.andi %ne3A_1005, %ne3A_1000 : i1
        %add3A_1007 = arith.addi %rem3A_998, %select_n3A_997 : i32
        %select_n3A_1008 = arith.select %and3A_1006, %add3A_1007, %rem3A_998 : i32
        %mul3A_1009 = arith.constant 128 : i32
        %mul3A_1010 = arith.muli %select_n3A_992, %mul3A_1009 : i32
        %mul3A_1011 = arith.constant 16 : i32
        %mul3A_1012 = arith.muli %select_n3A_1008, %mul3A_1011 : i32
        %add3A_1013 = arith.addi %mul3A_1010, %mul3A_1012 : i32
        %dma_start3A_1014 = tpu.memref_slice %arg6[%add3A_1013] : memref<2560xi32, #tpu.memory_space<vmem>> -> memref<16xi32, #tpu.memory_space<vmem>>
        %dma_start3A_1015 = arith.constant 0 : i32
        %dma_start3A_1016 = arith.constant 0 : i32
        %dma_start3A_1017 = tpu.memref_slice %arg3[%dma_start3A_1015, %dma_start3A_1016] : memref<49408x512xf32, #tpu.memory_space<hbm>> -> memref<49408x512xf32, #tpu.memory_space<hbm>>
        tpu.enqueue_indirect_dma source(%dma_start3A_1017 : memref<49408x512xf32, #tpu.memory_space<hbm>>) target(%arg10 : memref<16x512xf32, #tpu.memory_space<vmem>>) offsets(%dma_start3A_1014 : memref<16xi32, #tpu.memory_space<vmem>>) semaphore(%arg15 : memref<!tpu.dma_semaphore, #tpu.memory_space<semaphore_mem>>)
      } else {
      }
    }
    %scan3A_345 = arith.constant 40 : i32
    %jit3A = arith.constant false
    %jit3A_346 = arith.constant 0 : i32
    %jit3A_347 = arith.constant 35 : i32
    %select_n3A = arith.select %jit3A, %jit3A_346, %jit3A_347 : i32
    %add3A_348 = arith.constant 64 : i32
    %add3A_349 = arith.addi %mul3A_2, %add3A_348 : i32
    %dma_wait3A_350 = arith.constant 0 : i32
    %dma_wait3A_351 = tpu.memref_slice %arg5[%select_n3A, %add3A_349, %dma_wait3A_350] : memref<36x4096x512xf32, #tpu.memory_space<hbm>> -> memref<1x16x512xf32, #tpu.memory_space<hbm>>
    %dma_wait3A_352 = tpu.memref_squeeze %dma_wait3A_351 : memref<1x16x512xf32, #tpu.memory_space<hbm>> -> memref<16x512xf32, #tpu.memory_space<hbm>>
    %dma_wait3A_353 = arith.constant 0 : i32
    %dma_wait3A_354 = tpu.memref_slice %arg5[%select_n3A, %add3A_349, %dma_wait3A_353] : memref<36x4096x512xf32, #tpu.memory_space<hbm>> -> memref<1x16x512xf32, #tpu.memory_space<hbm>>
    %dma_wait3A_355 = tpu.memref_squeeze %dma_wait3A_354 : memref<1x16x512xf32, #tpu.memory_space<hbm>> -> memref<16x512xf32, #tpu.memory_space<hbm>>
    tpu.wait_dma2 semaphore(%arg16 : memref<!tpu.dma_semaphore, #tpu.memory_space<semaphore_mem>>) src(%arg7 : memref<16x512xf32, #tpu.memory_space<vmem>>) dst(%dma_wait3A_355 : memref<16x512xf32, #tpu.memory_space<hbm>>)
    %jit3A_356 = arith.constant false
    %jit3A_357 = arith.constant 0 : i32
    %jit3A_358 = arith.constant 35 : i32
    %select_n3A_359 = arith.select %jit3A_356, %jit3A_357, %jit3A_358 : i32
    %add3A_360 = arith.constant 80 : i32
    %add3A_361 = arith.addi %mul3A_2, %add3A_360 : i32
    %dma_wait3A_362 = arith.constant 0 : i32
    %dma_wait3A_363 = tpu.memref_slice %arg5[%select_n3A_359, %add3A_361, %dma_wait3A_362] : memref<36x4096x512xf32, #tpu.memory_space<hbm>> -> memref<1x16x512xf32, #tpu.memory_space<hbm>>
    %dma_wait3A_364 = tpu.memref_squeeze %dma_wait3A_363 : memref<1x16x512xf32, #tpu.memory_space<hbm>> -> memref<16x512xf32, #tpu.memory_space<hbm>>
    %dma_wait3A_365 = arith.constant 0 : i32
    %dma_wait3A_366 = tpu.memref_slice %arg5[%select_n3A_359, %add3A_361, %dma_wait3A_365] : memref<36x4096x512xf32, #tpu.memory_space<hbm>> -> memref<1x16x512xf32, #tpu.memory_space<hbm>>
    %dma_wait3A_367 = tpu.memref_squeeze %dma_wait3A_366 : memref<1x16x512xf32, #tpu.memory_space<hbm>> -> memref<16x512xf32, #tpu.memory_space<hbm>>
    tpu.wait_dma2 semaphore(%arg17 : memref<!tpu.dma_semaphore, #tpu.memory_space<semaphore_mem>>) src(%arg8 : memref<16x512xf32, #tpu.memory_space<vmem>>) dst(%dma_wait3A_367 : memref<16x512xf32, #tpu.memory_space<hbm>>)
    %jit3A_368 = arith.constant false
    %jit3A_369 = arith.constant 0 : i32
    %jit3A_370 = arith.constant 35 : i32
    %select_n3A_371 = arith.select %jit3A_368, %jit3A_369, %jit3A_370 : i32
    %add3A_372 = arith.constant 96 : i32
    %add3A_373 = arith.addi %mul3A_2, %add3A_372 : i32
    %dma_wait3A_374 = arith.constant 0 : i32
    %dma_wait3A_375 = tpu.memref_slice %arg5[%select_n3A_371, %add3A_373, %dma_wait3A_374] : memref<36x4096x512xf32, #tpu.memory_space<hbm>> -> memref<1x16x512xf32, #tpu.memory_space<hbm>>
    %dma_wait3A_376 = tpu.memref_squeeze %dma_wait3A_375 : memref<1x16x512xf32, #tpu.memory_space<hbm>> -> memref<16x512xf32, #tpu.memory_space<hbm>>
    %dma_wait3A_377 = arith.constant 0 : i32
    %dma_wait3A_378 = tpu.memref_slice %arg5[%select_n3A_371, %add3A_373, %dma_wait3A_377] : memref<36x4096x512xf32, #tpu.memory_space<hbm>> -> memref<1x16x512xf32, #tpu.memory_space<hbm>>
    %dma_wait3A_379 = tpu.memref_squeeze %dma_wait3A_378 : memref<1x16x512xf32, #tpu.memory_space<hbm>> -> memref<16x512xf32, #tpu.memory_space<hbm>>
    tpu.wait_dma2 semaphore(%arg18 : memref<!tpu.dma_semaphore, #tpu.memory_space<semaphore_mem>>) src(%arg9 : memref<16x512xf32, #tpu.memory_space<vmem>>) dst(%dma_wait3A_379 : memref<16x512xf32, #tpu.memory_space<hbm>>)
    %jit3A_380 = arith.constant false
    %jit3A_381 = arith.constant 0 : i32
    %jit3A_382 = arith.constant 35 : i32
    %select_n3A_383 = arith.select %jit3A_380, %jit3A_381, %jit3A_382 : i32
    %add3A_384 = arith.constant 112 : i32
    %add3A_385 = arith.addi %mul3A_2, %add3A_384 : i32
    %dma_wait3A_386 = arith.constant 0 : i32
    %dma_wait3A_387 = tpu.memref_slice %arg5[%select_n3A_383, %add3A_385, %dma_wait3A_386] : memref<36x4096x512xf32, #tpu.memory_space<hbm>> -> memref<1x16x512xf32, #tpu.memory_space<hbm>>
    %dma_wait3A_388 = tpu.memref_squeeze %dma_wait3A_387 : memref<1x16x512xf32, #tpu.memory_space<hbm>> -> memref<16x512xf32, #tpu.memory_space<hbm>>
    %dma_wait3A_389 = arith.constant 0 : i32
    %dma_wait3A_390 = tpu.memref_slice %arg5[%select_n3A_383, %add3A_385, %dma_wait3A_389] : memref<36x4096x512xf32, #tpu.memory_space<hbm>> -> memref<1x16x512xf32, #tpu.memory_space<hbm>>
    %dma_wait3A_391 = tpu.memref_squeeze %dma_wait3A_390 : memref<1x16x512xf32, #tpu.memory_space<hbm>> -> memref<16x512xf32, #tpu.memory_space<hbm>>
    tpu.wait_dma2 semaphore(%arg19 : memref<!tpu.dma_semaphore, #tpu.memory_space<semaphore_mem>>) src(%arg10 : memref<16x512xf32, #tpu.memory_space<vmem>>) dst(%dma_wait3A_391 : memref<16x512xf32, #tpu.memory_space<hbm>>)
    %scan3A_392 = arith.constant 0 : i32
    %scan3A_393 = arith.constant 0 : i32
    %scan3A_394 = arith.constant 256 : i32
    %scan3A_395 = arith.addi %scan3A_393, %scan3A_394 : i32
    %scan3A_396 = arith.constant 1 : i32
    scf.for %scan3A_398 = %scan3A_393 to %scan3A_395 step %scan3A_396  : i32 {
      %jit3A_399 = arith.constant 16 : i32
      %div3A = arith.divsi %scan3A_398, %jit3A_399 : i32
      %sign3A = arith.constant 0 : i32
      %sign3A_400 = arith.cmpi sgt, %scan3A_398, %sign3A : i32
      %sign3A_401 = arith.extui %sign3A_400 : i1 to i32
      %sign3A_402 = arith.constant 0 : i32
      %sign3A_403 = arith.cmpi slt, %scan3A_398, %sign3A_402 : i32
      %sign3A_404 = arith.extui %sign3A_403 : i1 to i32
      %sign3A_405 = arith.subi %sign3A_401, %sign3A_404 : i32
      %sign3A_406 = arith.constant 0 : i32
      %sign3A_407 = arith.cmpi sgt, %jit3A_399, %sign3A_406 : i32
      %sign3A_408 = arith.extui %sign3A_407 : i1 to i32
      %sign3A_409 = arith.constant 0 : i32
      %sign3A_410 = arith.cmpi slt, %jit3A_399, %sign3A_409 : i32
      %sign3A_411 = arith.extui %sign3A_410 : i1 to i32
      %sign3A_412 = arith.subi %sign3A_408, %sign3A_411 : i32
      %ne3A = arith.cmpi ne, %sign3A_405, %sign3A_412 : i32
      %rem3A = arith.remsi %scan3A_398, %jit3A_399 : i32
      %ne3A_413 = arith.constant 0 : i32
      %ne3A_414 = arith.cmpi ne, %rem3A, %ne3A_413 : i32
      %and3A = arith.andi %ne3A, %ne3A_414 : i1
      %sub3A = arith.constant 1 : i32
      %sub3A_415 = arith.subi %div3A, %sub3A : i32
      %select_n3A_416 = arith.select %and3A, %sub3A_415, %div3A : i32
      %mul3A_417 = arith.constant 8 : i32
      %mul3A_418 = arith.muli %select_n3A_416, %mul3A_417 : i32
      %jit3A_419 = arith.constant 16 : i32
      %div3A_420 = arith.divsi %scan3A_398, %jit3A_419 : i32
      %sign3A_421 = arith.constant 0 : i32
      %sign3A_422 = arith.cmpi sgt, %scan3A_398, %sign3A_421 : i32
      %sign3A_423 = arith.extui %sign3A_422 : i1 to i32
      %sign3A_424 = arith.constant 0 : i32
      %sign3A_425 = arith.cmpi slt, %scan3A_398, %sign3A_424 : i32
      %sign3A_426 = arith.extui %sign3A_425 : i1 to i32
      %sign3A_427 = arith.subi %sign3A_423, %sign3A_426 : i32
      %sign3A_428 = arith.constant 0 : i32
      %sign3A_429 = arith.cmpi sgt, %jit3A_419, %sign3A_428 : i32
      %sign3A_430 = arith.extui %sign3A_429 : i1 to i32
      %sign3A_431 = arith.constant 0 : i32
      %sign3A_432 = arith.cmpi slt, %jit3A_419, %sign3A_431 : i32
      %sign3A_433 = arith.extui %sign3A_432 : i1 to i32
      %sign3A_434 = arith.subi %sign3A_430, %sign3A_433 : i32
      %ne3A_435 = arith.cmpi ne, %sign3A_427, %sign3A_434 : i32
      %rem3A_436 = arith.remsi %scan3A_398, %jit3A_419 : i32
      %ne3A_437 = arith.constant 0 : i32
      %ne3A_438 = arith.cmpi ne, %rem3A_436, %ne3A_437 : i32
      %and3A_439 = arith.andi %ne3A_435, %ne3A_438 : i1
      %sub3A_440 = arith.constant 1 : i32
      %sub3A_441 = arith.subi %div3A_420, %sub3A_440 : i32
      %select_n3A_442 = arith.select %and3A_439, %sub3A_441, %div3A_420 : i32
      %jit3A_443 = arith.constant 16 : i32
      %eq3A = arith.constant 0 : i32
      %eq3A_444 = arith.cmpi eq, %jit3A_443, %eq3A : i32
      %jit3A_445 = arith.constant 1 : i32
      %select_n3A_446 = arith.select %eq3A_444, %jit3A_445, %jit3A_443 : i32
      %rem3A_447 = arith.remsi %scan3A_398, %select_n3A_446 : i32
      %ne3A_448 = arith.constant 0 : i32
      %ne3A_449 = arith.cmpi ne, %rem3A_447, %ne3A_448 : i32
      %lt3A = arith.constant 0 : i32
      %lt3A_450 = arith.cmpi slt, %rem3A_447, %lt3A : i32
      %lt3A_451 = arith.constant 0 : i32
      %lt3A_452 = arith.cmpi slt, %select_n3A_446, %lt3A_451 : i32
      %ne3A_453 = arith.xori %lt3A_450, %lt3A_452 : i1
      %and3A_454 = arith.andi %ne3A_453, %ne3A_449 : i1
      %add3A_455 = arith.addi %rem3A_447, %select_n3A_446 : i32
      %select_n3A_456 = arith.select %and3A_454, %add3A_455, %rem3A_447 : i32
      %add3A_457 = arith.constant 1 : i32
      %add3A_458 = arith.addi %select_n3A_442, %add3A_457 : i32
      %mul3A_459 = arith.constant 8 : i32
      %mul3A_460 = arith.muli %select_n3A_456, %mul3A_459 : i32
      %add3A_461 = arith.addi %mul3A_2, %mul3A_460 : i32
      %dma_wait3A_462 = arith.constant 0 : i32
      %dma_wait3A_463 = tpu.memref_slice %arg11[%mul3A_418, %dma_wait3A_462] : memref<128x512xf32, #tpu.memory_space<vmem>> -> memref<8x512xf32, #tpu.memory_space<vmem>>
      %dma_wait3A_464 = arith.constant 0 : i32
      %dma_wait3A_465 = tpu.memref_slice %arg5[%add3A_458, %add3A_461, %dma_wait3A_464] : memref<36x4096x512xf32, #tpu.memory_space<hbm>> -> memref<1x8x512xf32, #tpu.memory_space<hbm>>
      %dma_wait3A_466 = tpu.memref_squeeze %dma_wait3A_465 : memref<1x8x512xf32, #tpu.memory_space<hbm>> -> memref<8x512xf32, #tpu.memory_space<hbm>>
      %dma_wait3A_467 = arith.constant 0 : i32
      %dma_wait3A_468 = tpu.memref_slice %arg5[%add3A_458, %add3A_461, %dma_wait3A_467] : memref<36x4096x512xf32, #tpu.memory_space<hbm>> -> memref<1x8x512xf32, #tpu.memory_space<hbm>>
      %dma_wait3A_469 = tpu.memref_squeeze %dma_wait3A_468 : memref<1x8x512xf32, #tpu.memory_space<hbm>> -> memref<8x512xf32, #tpu.memory_space<hbm>>
      %dma_wait3A_470 = arith.constant 0 : i32
      %dma_wait3A_471 = tpu.memref_slice %arg11[%mul3A_418, %dma_wait3A_470] : memref<128x512xf32, #tpu.memory_space<vmem>> -> memref<8x512xf32, #tpu.memory_space<vmem>>
      tpu.wait_dma2 semaphore(%arg20 : memref<!tpu.dma_semaphore, #tpu.memory_space<semaphore_mem>>) src(%dma_wait3A_471 : memref<8x512xf32, #tpu.memory_space<vmem>>) dst(%dma_wait3A_469 : memref<8x512xf32, #tpu.memory_space<hbm>>)
    }
    %scan3A_397 = arith.constant 256 : i32
    return
  }
}

module attributes {stable_mosaic.version = 14 : i64} {
  func.func @_mask_body(%arg0: memref<4096x20xi32, #tpu.memory_space<vmem>>, %arg1: memref<4096x36xi32, #tpu.memory_space<vmem>>) attributes {dimension_semantics = [], scalar_prefetch = 0 : i64, scratch_operands = 0 : i64, tpu.core_type = #tpu.core_type<tc>} {
    %broadcast_in_dim3A = arith.constant 1 : i32
    %broadcast_in_dim3A_0 = vector.broadcast %broadcast_in_dim3A : i32 to vector<4096x16xi32>
    %get3A = arith.constant 0 : index
    %get3A_1 = arith.constant 0 : index
    %get3A_2 = vector.load %arg0[%get3A, %get3A_1] : memref<4096x20xi32, #tpu.memory_space<vmem>>, vector<4096x20xi32>
    %concatenate3A = tpu.concatenate %broadcast_in_dim3A_0, %get3A_2 in 1 : vector<4096x16xi32>, vector<4096x20xi32> -> vector<4096x36xi32>
    %swap3A = arith.constant 0 : index
    %swap3A_3 = arith.constant 0 : index
    %swap3A_4 = vector.load %arg1[%swap3A, %swap3A_3] : memref<4096x36xi32, #tpu.memory_space<vmem>>, vector<4096x36xi32>
    tpu.vector_store %arg1[%swap3A, %swap3A_3], %concatenate3A {strides = array<i32>} : memref<4096x36xi32, #tpu.memory_space<vmem>>, vector<4096x36xi32>,
    return
  }
}

</mosaic_0001>

<sc_bundles>
// kernel: kernel.4.cloned.1.call-start
scs
__scs_entry_jumppad:
0x0: {  	(pc) =	sbr.rel $0x88, $3  }
0x1: {  	(tag) =	ssettag $0x0;
	lr =	simm.s32 $0x1  }
0x2: {  	[smem:$0x3F9D] =	sst lr;
	_ =	strace $0xD0000000  }
0x3: {  	_ = 	snop  }
0x4: {  	_ = 	snop  }
0x5: {  	_ = 	snop  }
0x6: {  	_ = 	snop  }
0x7: {  	_ = 	snop  }
__scs_overlays_trampoline_lowered:
0x8: {  	[smem:$0x3FAC] =	sst s0  }
0x9: {  	[smem:$0x3FAD] =	sst s1  }
0xa: {  	[smem:$0x3FAE] =	sst s2  }
0xb: {  	[smem:$0x3FAF] =	sst s3  }
0xc: {  	[smem:$0x3FB0] =	sst s4  }
0xd: {  	[smem:$0x3FB1] =	sst s5  }
0xe: {  	[smem:$0x3FB2] =	sst s6  }
0xf: {  	[smem:$0x3FB3] =	sst s7  }
0x10: {  	[smem:$0x3FB4] =	sst s8  }
0x11: {  	[smem:$0x3FB5] =	sst s9;
	s0 =	simm.s32 @!p0 $0x0  }
0x12: {  	s1 =	sld [smem:$0x3F9B];
	s0 =	simm.s32 @p0 $0x1  }
0x13: {  	[smem:$0x3FB6] =	sst s0;
	s0 =	simm.s32 @!p1 $0x0  }
0x14: {  	s2 =	sld [smem:$0x3F9A];
	s0 =	simm.s32 @p1 $0x1  }
0x15: {  	[smem:$0x3FB7] =	sst s0;
	s0 =	simm.s32 @!p2 $0x0  }
0x16: {  	s3 =	sld [smem:$0x3FDB];
	s0 =	simm.s32 @p2 $0x1  }
0x17: {  	s4 =	simm.s32 $0x1BF5;
	[smem:$0x3FB9] =	sst s0  }
0x18: {  	s0 =	sld [smem:$0x3F9C];
	_ =	swait.ge [sflag:s4], $0x0  }
0x19: {  	s7 =	sld [smem:$0x3F9D]  }
0x1a: {  	s8 =	sadd.s32 $0xFFFFE003, lr  }
0x1b: {  	s9 =	sadd.s32 $0xFFFFFEF7, lr;
	s5 =	simm.s32 $0xFFFFFFFF;
	p2 =	slt.u32 s8, $0xFFFFF086  }
0x1c: {  	p1 =	slt.u32 s9, $0xF7A;
	s5 =	simm.s32 @!p2 $0x0  }
0x1d: {  	s5 =	simm.s32 @p1 $0x1;
	p0 =	seq.s32 s7, s2  }
0x1e: {  	s7 =	smul.u32 @!p0 $0xF7A, s2;
	p2 =	seq.s32 @!p0 s5, $0x0  }
0x1f: {  	s9 =	smul.u32 $0xF7A, s1;
	s8 =	simm.s32 @!p0 $0x1BF5;
	p2 =	por !p2, p0  }
0x20: {  	[sflag:s8] =	ssyncset.s32 @!p0 $0xFFFFF086;
	s6 =	sadd.s32 @!p0 s3, s7;
	s7 =	simm.s32 @!p0 $0x108  }
0x21: {  	s3 =	sadd.s32 s3, s9;
	s6 =	sadd.s32 @!p0 $0x88, s6;
	s7 =	simm.s32 @p2 $0x1082  }
0x22: {  	[simem:s7], [sflag:s8] =	dma.local @!p0 [hbm:s6], $0xF7A  }
0x23: {  	s9 =	sor.u32 $0xD0000000, s2;
	s6 =	simm.s32 $0x108;
	_ =	swait.ge @!p0 [sflag:s8], $0x0  }
0x24: {  	s3 =	sadd.s32 $0x88, s3;
	s6 =	simm.s32 @!p1 $0x1082;
	[sflag:s4] =	ssyncset.s32 $0xFFFFF086  }
0x25: {  	[simem:s6], [sflag:s4] =	dma.local [hbm:s3], $0xF7A  }
0x26: {  	[smem:$0x3F9D] =	sst s1;
	(tag) =	ssettag s2;
	_ =	strace s9  }
0x27: {  	s1 =	sld [smem:$0x3FAD]  }
0x28: {  	s2 =	sld [smem:$0x3FAE]  }
0x29: {  	s4 =	sld [smem:$0x3FB0]  }
0x2a: {  	p0 =	seq.s32 s5, $0x0;
	s5 =	sld [smem:$0x3FB1]  }
0x2b: {  	s6 =	sld [smem:$0x3FB2]  }
0x2c: {  	s7 =	sld [smem:$0x3FB3]  }
0x2d: {  	s3 =	simm.s32 $0x108;
	s8 =	sld [smem:$0x3FB4]  }
0x2e: {  	s3 =	simm.s32 @!p0 $0x1082;
	s9 =	sld [smem:$0x3FB5]  }
0x2f: {  	lr =	sadd.s32 s0, s3;
	s0 =	sld [smem:$0x3FAC]  }
0x30: {  	s3 =	sld [smem:$0x3FAF]  }
0x31: {  	[smem:$0x3FB8] =	sst s10  }
0x32: {  	s10 =	sld [smem:$0x3FB6];
	_ =	sdelay $0x3  }
0x33: {  	p0 =	seq.s32 s10, $0x1;
	s10 =	sld [smem:$0x3FB8];
	_ =	sdelay $0x3  }
0x34: {  	[smem:$0x3FB8] =	sst s10  }
0x35: {  	s10 =	sld [smem:$0x3FB7];
	_ =	sdelay $0x3  }
0x36: {  	p1 =	seq.s32 s10, $0x1;
	s10 =	sld [smem:$0x3FB8];
	_ =	sdelay $0x3  }
0x37: {  	[smem:$0x3FB8] =	sst s10  }
0x38: {  	s10 =	sld [smem:$0x3FB9]  }
0x39: {  	_ = 	snop;
	(pc) =	sbr.ind lr, $3  }
0x3a: {  	_ = 	snop  }
0x3b: {  	_ = 	snop  }
0x3c: {  	p2 =	seq.s32 s10, $0x1;
	s10 =	sld [smem:$0x3FB8]  }
0x3d: {  	_ =	shalt  }
0x3e: {  	_ =	shalt  }
0x3f: {  	_ =	shalt  }
0x40: {  	_ =	shalt  }
0x41: {  	_ =	shalt  }
0x42: {  	_ =	shalt  }
0x43: {  	_ =	shalt  }
0x44: {  	_ =	shalt  }
0x45: {  	_ =	shalt  }
0x46: {  	_ =	shalt  }
0x47: {  	_ =	shalt  }
0x48: {  	_ =	shalt  }
0x49: {  	_ =	shalt  }
0x4a: {  	_ =	shalt  }
0x4b: {  	_ =	shalt  }
0x4c: {  	_ =	shalt  }
0x4d: {  	_ =	shalt  }
0x4e: {  	_ =	shalt  }
0x4f: {  	_ =	shalt  }
0x50: {  	_ =	shalt  }
0x51: {  	_ =	shalt  }
0x52: {  	_ =	shalt  }
0x53: {  	_ =	shalt  }
0x54: {  	_ =	shalt  }
0x55: {  	_ =	shalt  }
0x56: {  	_ =	shalt  }
0x57: {  	_ =	shalt  }
0x58: {  	_ =	shalt  }
0x59: {  	_ =	shalt  }
0x5a: {  	_ =	shalt  }
0x5b: {  	_ =	shalt  }
0x5c: {  	_ =	shalt  }
0x5d: {  	_ =	shalt  }
0x5e: {  	_ =	shalt  }
0x5f: {  	_ =	shalt  }
0x60: {  	_ =	shalt  }
0x61: {  	_ =	shalt  }
0x62: {  	_ =	shalt  }
0x63: {  	_ =	shalt  }
0x64: {  	_ =	shalt  }
0x65: {  	_ =	shalt  }
0x66: {  	_ =	shalt  }
0x67: {  	_ =	shalt  }
0x68: {  	_ =	shalt  }
0x69: {  	_ =	shalt  }
0x6a: {  	_ =	shalt  }
0x6b: {  	_ =	shalt  }
0x6c: {  	_ =	shalt  }
0x6d: {  	_ =	shalt  }
0x6e: {  	_ =	shalt  }
0x6f: {  	_ =	shalt  }
0x70: {  	_ =	shalt  }
0x71: {  	_ =	shalt  }
0x72: {  	_ =	shalt  }
0x73: {  	_ =	shalt  }
0x74: {  	_ =	shalt  }
0x75: {  	_ =	shalt  }
0x76: {  	_ =	shalt  }
0x77: {  	_ =	shalt  }
0x78: {  	_ =	shalt  }
0x79: {  	_ =	shalt  }
0x7a: {  	_ =	shalt  }
0x7b: {  	_ =	shalt  }
0x7c: {  	_ =	shalt  }
0x7d: {  	_ =	shalt  }
0x7e: {  	_ =	shalt  }
0x7f: {  	_ =	shalt  }
0x80: {  	_ =	shalt  }
0x81: {  	_ =	shalt  }
0x82: {  	_ =	shalt  }
0x83: {  	_ =	shalt  }
0x84: {  	_ =	shalt  }
0x85: {  	_ =	shalt  }
0x86: {  	_ =	shalt  }
0x87: {  	_ =	shalt  }
.Lfunc_end0:
.L_simem_size_0:
called_computation_lowered:
.L_overlay_start_0:
0x88: {  	s2 =	sld [smem:$0x3FD9]  }
0x89: {  	s3 =	sld [smem:$0x3FFE];
	_ =	sdelay $0x1  }
0x8a: {  	s1 =	srdreg.scid  }
0x8b: {  	s0 =	sand.u32 $0x1, s1  }
0x8c: {  	s14 =	sshll.u32 s0, $0xA;
	s2 =	sadd.s32 s3, s2  }
0x8d: {  	s2 =	sadd.s32 s2, s14  }
0x8e: {  	[smem:$0x3FC4] =	sst s2  }
0x8f: {  	_ = 	snop  }
0x90: {  	s2 =	sld [smem:$0x3FD0];
	_ =	sdelay $0x2  }
0x91: {  	s4 =	simm.s32 $0xA;
	s5 =	simm.s32 $0x10;
	s15 =	sld [smem:$0x3FC7]  }
0x92: {  	[smem:s5], [sflag:s4] =	dma.local [hbm:s2], $0x1  }
0x93: {  	_ =	swait.eq [sflag:s4], $0x1  }
0x94: {  	[sflag:s4] =	ssyncset.done $0x0  }
0x95: {  	[sflag:s4] =	ssyncadd.s32 $0xFFFFFFFF  }
0x96: {  	s16 =	sld [smem:$0x10];
	(tm) =	ssettm $0x1  }
0x97: {  	s17 =	sld [smem:$0x3FFB];
	_ =	sdelay $0x3  }
0x98: {  	_ =	strace s17  }
0x99: {  	s4 =	sld [smem:$0x3FFC];
	_ =	sdelay $0x3  }
0x9a: {  	_ =	strace s4  }
0x9b: {  	s4 =	sld [smem:$0x3FFD];
	_ =	sdelay $0x3  }
0x9c: {  	_ =	strace s4  }
0x9d: {  	_ =	strace $0x8FFFFFFF  }
0x9e: {  	s18 =	sld [smem:$0x3FDB];
	_ =	sdelay $0x1  }
0x9f: {  	s19 =	simm.s32 $_scs_section_size  }
0xa0: {  	s6 =	simm.s32 $_size__tile_overlayer_lowered;
	s7 =	simm.s32 $_tile_overlayer_lowered  }
0xa1: {  	s22 =	simm.s32 $0x1BFF;
	s21 =	sshll.u32 s7, $0x1;
	s4 =	sadd.s32 s19, s18  }
0xa2: {  	s8 =	simm.s32 $0x0;
	s20 =	sshll.u32 s6, $0x1;
	s6 =	sadd.s32 s21, s4  }
0xa3: {  	[timem:s8], [sflag:s22] =	dma.local [hbm:s6], s20  }
0xa4: {  	_ =	swait.ge [sflag:s22], s20  }
0xa5: {  	s5 =	ssub.s32 $0x0, s20;
	[sflag:s22] =	ssyncset.done $0x0  }
0xa6: {  	[sflag:s22] =	ssyncadd.s32 s5;
	_ =	sdelay $0x1  }
0xa7: {  	s23 =	simm.s32 $0x1B8B  }
0xa8: {  	_ =	swait.ge [sflag:s23], $0x1  }
0xa9: {  	[sflag:s23] =	ssyncset.done $0x0  }
0xaa: {  	s25 =	simm.s32 $0x1B8E;
	s24 =	sld [smem:$0x3FFE];
	[sflag:s23] =	ssyncadd.s32 $0xFFFFFFFF  }
0xab: {  	s26 =	simm.s32 $execute0_lowered;
	[smem:$0x3FD2] =	sst s25  }
0xac: {  	s6 =	sshll.u32 s26, $0x1;
	_ =	strace $0x80000046;
	[dreg:$0x1] =	wrdreg $0xFFFFFFFF  }
0xad: {  	s28 =	simm.s32 $_size_execute0_lowered;
	s4 =	sadd.s32 s4, s6;
	[dreg:$0x0] =	wrdreg $0x0  }
0xae: {  	s6 =	sshll.u32 s28, $0x1;
	[dreg:$0x2] =	wrdreg s4  }
0xaf: {  	[dreg:$0x3] =	wrdreg s6  }
0xb0: {  	[dreg:$0x4] =	wrdreg $0xC0  }
0xb1: {  	_ =	task [dreg:s8], $0x5FFFF  }
0xb2: {  	[dreg:$0x1] =	wrdreg $0xFFFFFFFF  }
0xb3: {  	[dreg:$0x0] =	wrdreg $0x60  }
0xb4: {  	[dreg:$0x2] =	wrdreg s24  }
0xb5: {  	[dreg:$0x3] =	wrdreg s15  }
0xb6: {  	[dreg:$0x4] =	wrdreg s16  }
0xb7: {  	[dreg:$0x5] =	wrdreg $0x9  }
0xb8: {  	_ =	task.clear_ibuf [dreg:s8], $0x6FFFF;
	_ =	strace $0x90000046  }
0xb9: {  	s29 =	simm.s32 $0x9;
	_ =	strace $0x80000048  }
0xba: {  	_ =	swait.ge [sflag:s29], $0x1  }
0xbb: {  	[sflag:s29] =	ssyncadd.s32 $0xFFFFFFFF  }
0xbc: {  	_ =	strace $0x90000048  }
0xbd: {  	_ =	sfence  }
0xbe: {  	s30 =	sld [smem:$0x0];
	_ =	sdelay $0x2  }
0xbf: {  	s31 =	sshll.u32 s1, $0xD;
	s1 =	sshrl.u32 s1, $0x2  }
0xc0: {  	s3 =	sand.u32 $0x4000, s31;
	s1 =	sadd.s32 s1, s30  }
0xc1: {  	s0 =	sor.u32 s3, s0;
	s1 =	sshll.u32 s1, $0x11  }
0xc2: {  	s0 =	sor.u32 s1, s0  }
0xc3: {  	s0 =	sadd.s32 $0x8F2B, s0  }
0xc4: {  	[sflag:s0] =	ssyncadd.remote.s32 $0x1  }
0xc5: {  	_ =	sfence.sel $0xFFFF  }
0xc6: {  	[dreg:$0x0] =	wrdreg $0xFFFFFFFF;
	(pc) =	sbr.abs _section_cstart, $3  }
0xc7: {  	[dreg:$0x1] =	wrdreg $0xFFFFFFFF  }
0xc8: {  	_ =	task.clear_ibuf [dreg:s8], $0x2FFFF;
	_ =	strace $0x9FFFFFFF  }
0xc9: {  	(tm) =	ssettm $0x7FFFFFFF  }
tec
execute0_lowered:
.L_overlay_start_1:
0x0: {  	(tag) =	ssettag $0x1  }
0x1: {  	s0 =	rddreg [dreg:$0x0]  }
0x2: {  	s1 =	srdreg.scid;
	s2 =	rddreg [dreg:$0x1]  }
0x3: {  	s4 =	stileid.u32;
	s3 =	rddreg [dreg:$0x2];
	s1 =	sand.u32 $0x1, s1  }
0x4: {  	s5 =	sshll.u32 s4, $0x8;
	s4 =	simm.s32 $0x0;
	s6 =	sshll.u32 s1, $0x7  }
0x5: {  	[smem:$0x7FF] =	sst s4;
	s5 =	sor.u32 s6, s5  }
0x6: {  	s1 =	ssub.s32 $0x2, s1;
	_ =	strace $0x80000047;
	s6 =	sshrl.u32 s5, $0x3  }
0x7: {  	s7 =	sshrl.u32 s1, $0x1;
	s6 =	sadd.s32 s6, s0;
	s0 =	sadd.s32 $0x800, s0  }
0x8: {  	[dreg:$0x4] =	wrdreg s0;
	s0 =	ssub.s32 s1, s7;
	s7 =	sadd.s32 $0x2800, s6  }
0x9: {  	s8 =	sadd.s32 $0x2A00, s6;
	[dreg:$0x5] =	wrdreg s7  }
0xa: {  	s9 =	sadd.s32 $0x2C00, s6;
	[dreg:$0x6] =	wrdreg s8  }
0xb: {  	s10 =	sadd.s32 $0x2E00, s6;
	[dreg:$0x7] =	wrdreg s9  }
0xc: {  	s11 =	sadd.s32 $0x3000, s6;
	[dreg:$0x8] =	wrdreg s10  }
0xd: {  	s12 =	sadd.s32 $0x3200, s6;
	[dreg:$0x9] =	wrdreg s11  }
0xe: {  	s13 =	sadd.s32 $0x3400, s6;
	[dreg:$0xa] =	wrdreg s12  }
0xf: {  	s14 =	sadd.s32 $0x3600, s6;
	[dreg:$0xb] =	wrdreg s13  }
0x10: {  	s15 =	sadd.s32 $0x3800, s6;
	[dreg:$0xc] =	wrdreg s14  }
0x11: {  	s16 =	sadd.s32 $0x3A00, s6;
	[dreg:$0xd] =	wrdreg s15  }
0x12: {  	s17 =	sadd.s32 $0x3C00, s6;
	[dreg:$0xe] =	wrdreg s16  }
0x13: {  	s18 =	sadd.s32 $0x3E00, s6;
	[dreg:$0xf] =	wrdreg s17  }
0x14: {  	s19 =	sadd.s32 $0x4000, s6;
	[dreg:$0x10] =	wrdreg s18  }
0x15: {  	s20 =	sadd.s32 $0x4200, s6;
	[dreg:$0x11] =	wrdreg s19  }
0x16: {  	s21 =	sadd.s32 $0x4400, s6;
	[dreg:$0x12] =	wrdreg s20  }
0x17: {  	s28 =	simm.s32 $0x7;
	s22 =	sadd.s32 $0x4600, s6;
	[dreg:$0x13] =	wrdreg s21  }
0x18: {  	s31 =	simm.s32 $0x8;
	s23 =	sadd.s32 $0x4800, s6;
	[dreg:$0x14] =	wrdreg s22  }
0x19: {  	s29 =	sadd.s32 $0x100, s2;
	s24 =	sadd.s32 $0x4A00, s6;
	[dreg:$0x15] =	wrdreg s23  }
0x1a: {  	s30 =	sadd.s32 $0x40000, s3;
	s25 =	sadd.s32 $0x4C00, s6;
	[dreg:$0x16] =	wrdreg s24  }
0x1b: {  	s26 =	sadd.s32 $0x4E00, s6;
	s1 =	simm.s32 $0x9;
	[dreg:$0x17] =	wrdreg s25  }
0x1c: {  	[dreg:$0x18] =	wrdreg s26;
	s0 =	smax.u32 s0, $0x1;
	s16 =	simm.s32 $0x1200  }
0x1d: {  	s9 =	simm.s32 $0x2A00;
	s13 =	simm.s32 $0x4A00;
	s17 =	simm.s32 $0x6A00  }
0x1e: {  	s18 =	simm.s32 $0x7200;
	s19 =	simm.s32 $0x7A00;
	s20 =	simm.s32 $0x8200  }
0x1f: {  	v2 =	vlaneseq.u32;
	s21 =	simm.s32 $0x1;
	s22 =	simm.s32 $0x2;
	s23 =	simm.s32 $0x3  }
0x20: {  	vm0 =	vmmov $0xffff;
	v1 =	vshrl.u32 v2, $0x3;
	s24 =	simm.s32 $0x4;
	s25 =	simm.s32 $0x5;
	s26 =	simm.s32 $0x6  }
0x21: {  	v0 =	vand.u32 $0x7, v2;
	v2 =	vor.u32 $0x8, v2;
	v1 =	vmul.u32 $0x8, v1;
	s7 =	simm.s32 $0x0;
	[dreg:$0x19] =	wrdreg s0;
	s0 =	simm.s32 $0xA00  }
.LBB2_1:
0x22: {  	[dreg:$0x1a] =	wrdreg s7  }
0x23: {  	s6 =	rddreg [dreg:$0x5]  }
0x24: {  	[tilespmem:s4], [sflag:$0x9] =	stream.linear.gather [hbm4b:s6+s4], $0x80, $0x38;
	[tilespmem:$0x18A00] =	vst v63  }
0x25: {  	s8 =	rddreg [dreg:$0x6];
	s10 =	simm.s32 $0x80  }
0x26: {  	[tilespmem:s10], [sflag:$0x9] =	stream.linear.gather [hbm4b:s8+s4], $0x80, $0x38;
	[tilespmem:$0x18A00] =	vst v63  }
0x27: {  	s11 =	rddreg [dreg:$0x7];
	s12 =	simm.s32 $0x100  }
0x28: {  	[tilespmem:s12], [sflag:$0x9] =	stream.linear.gather [hbm4b:s11+s4], $0x80, $0x38;
	[tilespmem:$0x18A00] =	vst v63  }
0x29: {  	s14 =	rddreg [dreg:$0x8];
	s15 =	simm.s32 $0x180  }
0x2a: {  	[tilespmem:s15], [sflag:$0x9] =	stream.linear.gather [hbm4b:s14+s4], $0x80, $0x38;
	[tilespmem:$0x18A00] =	vst v63  }
0x2b: {  	s8 =	rddreg [dreg:$0x9];
	s10 =	simm.s32 $0x200  }
0x2c: {  	[tilespmem:s10], [sflag:$0x9] =	stream.linear.gather [hbm4b:s8+s4], $0x80, $0x38;
	[tilespmem:$0x18A00] =	vst v63  }
0x2d: {  	s11 =	rddreg [dreg:$0xa];
	s12 =	simm.s32 $0x280  }
0x2e: {  	[tilespmem:s12], [sflag:$0x9] =	stream.linear.gather [hbm4b:s11+s4], $0x80, $0x38;
	[tilespmem:$0x18A00] =	vst v63  }
0x2f: {  	s14 =	rddreg [dreg:$0xb];
	s15 =	simm.s32 $0x300  }
0x30: {  	[tilespmem:s15], [sflag:$0x9] =	stream.linear.gather [hbm4b:s14+s4], $0x80, $0x38;
	[tilespmem:$0x18A00] =	vst v63  }
0x31: {  	s8 =	rddreg [dreg:$0xc];
	s10 =	simm.s32 $0x380  }
0x32: {  	[tilespmem:s10], [sflag:$0x9] =	stream.linear.gather [hbm4b:s8+s4], $0x80, $0x38;
	[tilespmem:$0x18A00] =	vst v63  }
0x33: {  	s11 =	rddreg [dreg:$0xd];
	s12 =	simm.s32 $0x400  }
0x34: {  	[tilespmem:s12], [sflag:$0x9] =	stream.linear.gather [hbm4b:s11+s4], $0x80, $0x38;
	[tilespmem:$0x18A00] =	vst v63  }
0x35: {  	s14 =	rddreg [dreg:$0xe];
	s15 =	simm.s32 $0x480  }
0x36: {  	[tilespmem:s15], [sflag:$0x9] =	stream.linear.gather [hbm4b:s14+s4], $0x80, $0x38;
	[tilespmem:$0x18A00] =	vst v63  }
0x37: {  	s8 =	rddreg [dreg:$0xf];
	s10 =	simm.s32 $0x500  }
0x38: {  	[tilespmem:s10], [sflag:$0x9] =	stream.linear.gather [hbm4b:s8+s4], $0x80, $0x38;
	[tilespmem:$0x18A00] =	vst v63  }
0x39: {  	s11 =	rddreg [dreg:$0x10];
	s12 =	simm.s32 $0x580  }
0x3a: {  	[tilespmem:s12], [sflag:$0x9] =	stream.linear.gather [hbm4b:s11+s4], $0x80, $0x38;
	[tilespmem:$0x18A00] =	vst v63  }
0x3b: {  	s14 =	rddreg [dreg:$0x11];
	s15 =	simm.s32 $0x600  }
0x3c: {  	[tilespmem:s15], [sflag:$0x9] =	stream.linear.gather [hbm4b:s14+s4], $0x80, $0x38;
	[tilespmem:$0x18A00] =	vst v63  }
0x3d: {  	s8 =	rddreg [dreg:$0x12];
	s10 =	simm.s32 $0x680  }
0x3e: {  	[tilespmem:s10], [sflag:$0x9] =	stream.linear.gather [hbm4b:s8+s4], $0x80, $0x38;
	[tilespmem:$0x18A00] =	vst v63  }
0x3f: {  	s11 =	rddreg [dreg:$0x13];
	s12 =	simm.s32 $0x700  }
0x40: {  	[tilespmem:s12], [sflag:$0x9] =	stream.linear.gather [hbm4b:s11+s4], $0x80, $0x38;
	[tilespmem:$0x18A00] =	vst v63  }
0x41: {  	s14 =	rddreg [dreg:$0x14];
	s15 =	simm.s32 $0x780  }
0x42: {  	[tilespmem:s15], [sflag:$0x9] =	stream.linear.gather [hbm4b:s14+s4], $0x80, $0x38;
	[tilespmem:$0x18A00] =	vst v63  }
0x43: {  	s8 =	rddreg [dreg:$0x15];
	s10 =	simm.s32 $0x800  }
0x44: {  	[tilespmem:s10], [sflag:$0x9] =	stream.linear.gather [hbm4b:s8+s4], $0x80, $0x38;
	[tilespmem:$0x18A00] =	vst v63  }
0x45: {  	s11 =	rddreg [dreg:$0x16];
	s12 =	simm.s32 $0x880  }
0x46: {  	[tilespmem:s12], [sflag:$0x9] =	stream.linear.gather [hbm4b:s11+s4], $0x80, $0x38;
	[tilespmem:$0x18A00] =	vst v63  }
0x47: {  	s14 =	rddreg [dreg:$0x17];
	s15 =	simm.s32 $0x900  }
0x48: {  	[tilespmem:s15], [sflag:$0x9] =	stream.linear.gather [hbm4b:s14+s4], $0x80, $0x38;
	[tilespmem:$0x18A00] =	vst v63  }
0x49: {  	s8 =	rddreg [dreg:$0x18];
	s10 =	simm.s32 $0x980  }
0x4a: {  	[tilespmem:s10], [sflag:$0x9] =	stream.linear.gather [hbm4b:s8+s4], $0x80, $0x38;
	[tilespmem:$0x18A00] =	vst v63  }
0x4b: {  	_ =	swait.ge [sflag:s1], $0x80  }
0x4c: {  	[sflag:s1] =	ssyncset.done $0x0  }
0x4d: {  	[sflag:s1] =	ssyncadd.s32 $0xFFFFFF80  }
0x4e: {  	_ =	swait.ge [sflag:s1], $0x80  }
0x4f: {  	[sflag:s1] =	ssyncset.done $0x0  }
0x50: {  	[sflag:s1] =	ssyncadd.s32 $0xFFFFFF80  }
0x51: {  	_ =	swait.ge [sflag:s1], $0x80  }
0x52: {  	[sflag:s1] =	ssyncset.done $0x0  }
0x53: {  	[sflag:s1] =	ssyncadd.s32 $0xFFFFFF80  }
0x54: {  	_ =	swait.ge [sflag:s1], $0x80  }
0x55: {  	[sflag:s1] =	ssyncset.done $0x0  }
0x56: {  	[sflag:s1] =	ssyncadd.s32 $0xFFFFFF80  }
0x57: {  	_ =	swait.ge [sflag:s1], $0x80  }
0x58: {  	[sflag:s1] =	ssyncset.done $0x0  }
0x59: {  	[sflag:s1] =	ssyncadd.s32 $0xFFFFFF80  }
0x5a: {  	_ =	swait.ge [sflag:s1], $0x80  }
0x5b: {  	[sflag:s1] =	ssyncset.done $0x0  }
0x5c: {  	[sflag:s1] =	ssyncadd.s32 $0xFFFFFF80  }
0x5d: {  	_ =	swait.ge [sflag:s1], $0x80  }
0x5e: {  	[sflag:s1] =	ssyncset.done $0x0  }
0x5f: {  	[sflag:s1] =	ssyncadd.s32 $0xFFFFFF80  }
0x60: {  	_ =	swait.ge [sflag:s1], $0x80  }
0x61: {  	[sflag:s1] =	ssyncset.done $0x0  }
0x62: {  	[sflag:s1] =	ssyncadd.s32 $0xFFFFFF80  }
0x63: {  	_ =	swait.ge [sflag:s1], $0x80  }
0x64: {  	[sflag:s1] =	ssyncset.done $0x0  }
0x65: {  	[sflag:s1] =	ssyncadd.s32 $0xFFFFFF80  }
0x66: {  	_ =	swait.ge [sflag:s1], $0x80  }
0x67: {  	[sflag:s1] =	ssyncset.done $0x0  }
0x68: {  	[sflag:s1] =	ssyncadd.s32 $0xFFFFFF80  }
0x69: {  	_ =	swait.ge [sflag:s1], $0x80  }
0x6a: {  	[sflag:s1] =	ssyncset.done $0x0  }
0x6b: {  	[sflag:s1] =	ssyncadd.s32 $0xFFFFFF80  }
0x6c: {  	_ =	swait.ge [sflag:s1], $0x80  }
0x6d: {  	[sflag:s1] =	ssyncset.done $0x0  }
0x6e: {  	[sflag:s1] =	ssyncadd.s32 $0xFFFFFF80  }
0x6f: {  	_ =	swait.ge [sflag:s1], $0x80  }
0x70: {  	[sflag:s1] =	ssyncset.done $0x0  }
0x71: {  	[sflag:s1] =	ssyncadd.s32 $0xFFFFFF80  }
0x72: {  	_ =	swait.ge [sflag:s1], $0x80  }
0x73: {  	[sflag:s1] =	ssyncset.done $0x0  }
0x74: {  	[sflag:s1] =	ssyncadd.s32 $0xFFFFFF80  }
0x75: {  	_ =	swait.ge [sflag:s1], $0x80  }
0x76: {  	[sflag:s1] =	ssyncset.done $0x0  }
0x77: {  	[sflag:s1] =	ssyncadd.s32 $0xFFFFFF80  }
0x78: {  	_ =	swait.ge [sflag:s1], $0x80  }
0x79: {  	[sflag:s1] =	ssyncset.done $0x0  }
0x7a: {  	[sflag:s1] =	ssyncadd.s32 $0xFFFFFF80  }
0x7b: {  	_ =	swait.ge [sflag:s1], $0x80  }
0x7c: {  	[sflag:s1] =	ssyncset.done $0x0  }
0x7d: {  	[sflag:s1] =	ssyncadd.s32 $0xFFFFFF80  }
0x7e: {  	_ =	swait.ge [sflag:s1], $0x80  }
0x7f: {  	[sflag:s1] =	ssyncset.done $0x0  }
0x80: {  	[sflag:s1] =	ssyncadd.s32 $0xFFFFFF80  }
0x81: {  	_ =	swait.ge [sflag:s1], $0x80  }
0x82: {  	[sflag:s1] =	ssyncset.done $0x0  }
0x83: {  	[sflag:s1] =	ssyncadd.s32 $0xFFFFFF80  }
0x84: {  	_ =	swait.ge [sflag:s1], $0x80  }
0x85: {  	s12 =	simm.s32 $0x8A00;
	[sflag:s1] =	ssyncset.done $0x0  }
0x86: {  	s14 =	simm.s32 $0xA;
	s11 =	rddreg [dreg:$0x4];
	[sflag:s1] =	ssyncadd.s32 $0xFFFFFF80  }
0x87: {  	[tilespmem:s12], [sflag:$0xA] =	stream.linear.gather [hbm4b:s11+s4], $0x10000, $0x38;
	[tilespmem:$0x18A00] =	vst v63  }
0x88: {  	_ =	swait.ge [sflag:s14], $0x10000  }
0x89: {  	[sflag:s14] =	ssyncset.done $0x0  }
0x8a: {  	[sflag:s14] =	ssyncadd.s32 $0xFFFF0000  }
0x8b: {  	v3 =	vld [tilespmem:$0x0];
	_ =	sdelay $0x4  }
0x8c: {  	v4 =	vshll.u32 v3, $0x2  }
0x8d: {  	v3 =	vand.u32 $0x7, v3;
	v4 =	vand.u32 $0xFFFFFFE0, v4  }
0x8e: {  	v3 =	vor.u32 v3, v4  }
0x8f: {  	v4 =	vperm.xlane v3, v0;
	_ =	sdelay $0x1  }
0x90: {  	v4 =	vadd.s32 v1, v4;
	_ =	sdelay $0x1  }
0x91: {  	v3 =	vperm.xlane v3, v2;
	_ =	sdelay $0x1  }
0x92: {  	v3 =	vadd.s32 v1, v3  }
0x93: {  	[tilespmem:s0], [sflag:$0x1] =	stream.indirect_vreg.gather [hbm4b:s2+s4], $0x80, v4, vm0, $0xb8;
	[tilespmem:$0x18A00] =	vst v63  }
0x94: {  	_ = 	snop  }
0x95: {  	[tilespmem:s16], [sflag:$0x1] =	stream.indirect_vreg.gather [hbm4b:s29+s4], $0x80, v4, vm0, $0xb8;
	[tilespmem:$0x18A00] =	vst v63  }
0x96: {  	s15 =	simm.s32 $0x1A00  }
0x97: {  	[tilespmem:s15], [sflag:$0x1] =	stream.indirect_vreg.gather [hbm4b:s2+s4], $0x80, v3, vm0, $0xb8;
	[tilespmem:$0x18A00] =	vst v63  }
0x98: {  	s7 =	simm.s32 $0x2200  }
0x99: {  	[tilespmem:s7], [sflag:$0x1] =	stream.indirect_vreg.gather [hbm4b:s29+s4], $0x80, v3, vm0, $0xb8;
	[tilespmem:$0x18A00] =	vst v63  }
0x9a: {  	v3 =	vld [tilespmem:$0x10];
	_ =	sdelay $0x4  }
0x9b: {  	v61 =	vshll.u32 v3, $0x2  }
0x9c: {  	v3 =	vand.u32 $0x7, v3;
	v4 =	vand.u32 $0xFFFFFFE0, v61  }
0x9d: {  	v3 =	vor.u32 v3, v4  }
0x9e: {  	v4 =	vperm.xlane v3, v0;
	_ =	sdelay $0x1  }
0x9f: {  	v4 =	vadd.s32 v1, v4;
	_ =	sdelay $0x1  }
0xa0: {  	v3 =	vperm.xlane v3, v2;
	_ =	sdelay $0x1  }
0xa1: {  	v3 =	vadd.s32 v1, v3  }
0xa2: {  	[tilespmem:s9], [sflag:$0x2] =	stream.indirect_vreg.gather [hbm4b:s2+s4], $0x80, v4, vm0, $0xb8;
	[tilespmem:$0x18A00] =	vst v63  }
0xa3: {  	s8 =	simm.s32 $0x3200  }
0xa4: {  	[tilespmem:s8], [sflag:$0x2] =	stream.indirect_vreg.gather [hbm4b:s29+s4], $0x80, v4, vm0, $0xb8;
	[tilespmem:$0x18A00] =	vst v63  }
0xa5: {  	s10 =	simm.s32 $0x3A00  }
0xa6: {  	[tilespmem:s10], [sflag:$0x2] =	stream.indirect_vreg.gather [hbm4b:s2+s4], $0x80, v3, vm0, $0xb8;
	[tilespmem:$0x18A00] =	vst v63  }
0xa7: {  	s11 =	simm.s32 $0x4200  }
0xa8: {  	[tilespmem:s11], [sflag:$0x2] =	stream.indirect_vreg.gather [hbm4b:s29+s4], $0x80, v3, vm0, $0xb8;
	[tilespmem:$0x18A00] =	vst v63  }
0xa9: {  	v3 =	vld [tilespmem:$0x20];
	_ =	sdelay $0x4  }
0xaa: {  	v62 =	vshll.u32 v3, $0x2  }
0xab: {  	v3 =	vand.u32 $0x7, v3;
	v4 =	vand.u32 $0xFFFFFFE0, v62  }
0xac: {  	v3 =	vor.u32 v3, v4  }
0xad: {  	v4 =	vperm.xlane v3, v0;
	_ =	sdelay $0x1  }
0xae: {  	v4 =	vadd.s32 v1, v4;
	_ =	sdelay $0x1  }
0xaf: {  	v3 =	vperm.xlane v3, v2;
	_ =	sdelay $0x1  }
0xb0: {  	v3 =	vadd.s32 v1, v3  }
0xb1: {  	[tilespmem:s13], [sflag:$0x3] =	stream.indirect_vreg.gather [hbm4b:s2+s4], $0x80, v4, vm0, $0xb8;
	[tilespmem:$0x18A00] =	vst v63  }
0xb2: {  	s12 =	simm.s32 $0x5200  }
0xb3: {  	[tilespmem:s12], [sflag:$0x3] =	stream.indirect_vreg.gather [hbm4b:s29+s4], $0x80, v4, vm0, $0xb8;
	[tilespmem:$0x18A00] =	vst v63  }
0xb4: {  	s14 =	simm.s32 $0x5A00  }
0xb5: {  	[tilespmem:s14], [sflag:$0x3] =	stream.indirect_vreg.gather [hbm4b:s2+s4], $0x80, v3, vm0, $0xb8;
	[tilespmem:$0x18A00] =	vst v63  }
0xb6: {  	s15 =	simm.s32 $0x6200  }
0xb7: {  	[tilespmem:s15], [sflag:$0x3] =	stream.indirect_vreg.gather [hbm4b:s29+s4], $0x80, v3, vm0, $0xb8;
	[tilespmem:$0x18A00] =	vst v63  }
0xb8: {  	v3 =	vld [tilespmem:$0x30];
	_ =	sdelay $0x4  }
0xb9: {  	v63 =	vshll.u32 v3, $0x2  }
0xba: {  	v3 =	vand.u32 $0x7, v3;
	v4 =	vand.u32 $0xFFFFFFE0, v63  }
0xbb: {  	v3 =	vor.u32 v3, v4  }
0xbc: {  	v4 =	vperm.xlane v3, v0;
	_ =	sdelay $0x1  }
0xbd: {  	v4 =	vadd.s32 v1, v4;
	_ =	sdelay $0x2  }
0xbe: {  	v3 =	vperm.xlane v3, v2;
	_ =	sdelay $0x1  }
0xbf: {  	v3 =	vadd.s32 v1, v3;
	[tilespmem:s17], [sflag:$0x4] =	stream.indirect_vreg.gather [hbm4b:s2+s4], $0x80, v4, vm0, $0xb8;
	[tilespmem:$0x18A00] =	vst v63  }
0xc0: {  	_ = 	snop  }
0xc1: {  	[tilespmem:s18], [sflag:$0x4] =	stream.indirect_vreg.gather [hbm4b:s29+s4], $0x80, v4, vm0, $0xb8;
	[tilespmem:$0x18A00] =	vst v63  }
.Ltmp0:
0xc2: {  	_ = 	snop;
	(pc) =	sbr.rel .LBB2_2-.Ltmp0, $4  }
0xc3: {  	s6 =	simm.s32 $0x1C0;
	s7 =	simm.s32 $0x70  }
0xc4: {  	[tilespmem:s19], [sflag:$0x4] =	stream.indirect_vreg.gather [hbm4b:s2+s4], $0x80, v3, vm0, $0xb8;
	[tilespmem:$0x18A00] =	vst v63  }
0xc5: {  	s8 =	simm.s32 $0x0;
	s10 =	simm.s32 $0x0;
	s11 =	simm.s32 $0x0  }
0xc6: {  	[tilespmem:s20], [sflag:$0x4] =	stream.indirect_vreg.gather [hbm4b:s29+s4], $0x80, v3, vm0, $0xb8;
	[tilespmem:$0x18A00] =	vst v63  }
.LBB2_3:
0xc7: {  	s12 =	sshll.u32 s8, $0xE;
	s14 =	sand.u32 $0x78, s10  }
0xc8: {  	s15 =	sshll.u32 s8, $0x8;
	s12 =	sand.u32 $0xFFFC0000, s12;
	s14 =	sor.u32 s5, s14  }
0xc9: {  	s15 =	sand.u32 $0x3FFFF000, s15;
	s14 =	sshll.u32 s14, $0x6;
	s12 =	sadd.s32 s12, s30  }
0xca: {  	s16 =	sadd.s32 $0x8A00, s15;
	s12 =	sadd.s32 s14, s12  }
0xcb: {  	[hbm4b:s12+s4] =	stream.linear.scatter [tilespmem:s16], [sflag:$0x9], $0x1000, $0x38;
	[tilespmem:$0x18A00] =	vst v63  }
0xcc: {  	s15 =	sadd.s32 $0x8, s10;
	s12 =	sadd.s32 $0x1, s8  }
0xcd: {  	s14 =	sand.u32 $0x78, s15;
	s16 =	sshll.u32 s12, $0xE  }
0xce: {  	s14 =	sor.u32 s5, s14;
	s12 =	sshll.u32 s12, $0x8;
	s15 =	sand.u32 $0xFFFC0000, s16  }
0xcf: {  	s14 =	sshll.u32 s14, $0x6;
	s12 =	sand.u32 $0x3FFFF000, s12;
	s15 =	sadd.s32 s15, s30  }
0xd0: {  	s12 =	sadd.s32 $0x8A00, s12;
	s14 =	sadd.s32 s14, s15  }
0xd1: {  	[hbm4b:s14+s4] =	stream.linear.scatter [tilespmem:s12], [sflag:$0x9], $0x1000, $0x38;
	[tilespmem:$0x18A00] =	vst v63  }
0xd2: {  	s15 =	sadd.s32 $0x10, s10;
	s12 =	sadd.s32 $0x2, s8  }
0xd3: {  	s14 =	sand.u32 $0x78, s15;
	s16 =	sshll.u32 s12, $0xE  }
0xd4: {  	s14 =	sor.u32 s5, s14;
	s12 =	sshll.u32 s12, $0x8;
	s15 =	sand.u32 $0xFFFC0000, s16  }
0xd5: {  	s14 =	sshll.u32 s14, $0x6;
	s12 =	sand.u32 $0x3FFFF000, s12;
	s15 =	sadd.s32 s15, s30  }
0xd6: {  	s12 =	sadd.s32 $0x8A00, s12;
	s14 =	sadd.s32 s14, s15  }
0xd7: {  	[hbm4b:s14+s4] =	stream.linear.scatter [tilespmem:s12], [sflag:$0x9], $0x1000, $0x38;
	[tilespmem:$0x18A00] =	vst v63  }
0xd8: {  	s15 =	sadd.s32 $0x18, s10;
	s12 =	sadd.s32 $0x3, s8  }
0xd9: {  	s14 =	sand.u32 $0x78, s15;
	s16 =	sshll.u32 s12, $0xE  }
0xda: {  	s14 =	sor.u32 s5, s14;
	s12 =	sshll.u32 s12, $0x8;
	s15 =	sand.u32 $0xFFFC0000, s16  }
0xdb: {  	s14 =	sshll.u32 s14, $0x6;
	s12 =	sand.u32 $0x3FFFF000, s12;
	s15 =	sadd.s32 s15, s30  }
0xdc: {  	p0 =	seq.s32 s10, $0x7E0;
	s12 =	sadd.s32 $0x8A00, s12;
	s14 =	sadd.s32 s14, s15  }
0xdd: {  	[hbm4b:s14+s4] =	stream.linear.scatter [tilespmem:s12], [sflag:$0x9], $0x1000, $0x38;
	[tilespmem:$0x18A00] =	vst v63  }
0xde: {  	s12 =	sadd.s32 @!p0 $0x4, s8;
	s14 =	sadd.s32 @!p0 $0x20, s10  }
0xdf: {  	s15 =	sshll.u32 @!p0 s12, $0xE;
	s14 =	sand.u32 @!p0 $0x78, s14  }
0xe0: {  	s12 =	sshll.u32 @!p0 s12, $0x8;
	s15 =	sand.u32 @!p0 $0xFFFC0000, s15;
	s14 =	sor.u32 @!p0 s5, s14  }
0xe1: {  	s12 =	sand.u32 @!p0 $0x3FFFF000, s12;
	s14 =	sshll.u32 @!p0 s14, $0x6;
	s15 =	sadd.s32 @!p0 s15, s30  }
0xe2: {  	s12 =	sadd.s32 @!p0 $0x8A00, s12;
	s14 =	sadd.s32 @!p0 s14, s15;
	s15 =	simm.s32 @!p0 $0x0  }
0xe3: {  	[hbm4b:s14+s15] =	stream.linear.scatter @!p0 [tilespmem:s12], [sflag:$0x9], $0x1000, $0x38;
	[tilespmem:$0x18A00] =	vst v63  }
0xe4: {  	s12 =	sadd.s32 @!p0 $0x5, s8;
	s14 =	sadd.s32 @!p0 $0x28, s10  }
0xe5: {  	s16 =	sshll.u32 @!p0 s12, $0xE;
	s14 =	sand.u32 @!p0 $0x78, s14  }
0xe6: {  	s12 =	sshll.u32 @!p0 s12, $0x8;
	s16 =	sand.u32 @!p0 $0xFFFC0000, s16;
	s14 =	sor.u32 @!p0 s5, s14  }
0xe7: {  	s12 =	sand.u32 @!p0 $0x3FFFF000, s12;
	s14 =	sshll.u32 @!p0 s14, $0x6;
	s16 =	sadd.s32 @!p0 s16, s30  }
0xe8: {  	s12 =	sadd.s32 @!p0 $0x8A00, s12;
	s14 =	sadd.s32 @!p0 s14, s16  }
0xe9: {  	[hbm4b:s14+s15] =	stream.linear.scatter @!p0 [tilespmem:s12], [sflag:$0x9], $0x1000, $0x38;
	[tilespmem:$0x18A00] =	vst v63  }
0xea: {  	s12 =	sadd.s32 @!p0 $0x6, s8;
	s14 =	sadd.s32 @!p0 $0x30, s10  }
0xeb: {  	s16 =	sshll.u32 @!p0 s12, $0xE;
	s14 =	sand.u32 @!p0 $0x78, s14  }
0xec: {  	s12 =	sshll.u32 @!p0 s12, $0x8;
	s16 =	sand.u32 @!p0 $0xFFFC0000, s16;
	s14 =	sor.u32 @!p0 s5, s14  }
0xed: {  	s12 =	sand.u32 @!p0 $0x3FFFF000, s12;
	s14 =	sshll.u32 @!p0 s14, $0x6;
	s16 =	sadd.s32 @!p0 s16, s30  }
0xee: {  	s12 =	sadd.s32 @!p0 $0x8A00, s12;
	s14 =	sadd.s32 @!p0 s14, s16;
	s16 =	simm.s32 $0x1200  }
0xef: {  	[hbm4b:s14+s15] =	stream.linear.scatter @!p0 [tilespmem:s12], [sflag:$0x9], $0x1000, $0x38;
	[tilespmem:$0x18A00] =	vst v63  }
.LBB2_5:
0xf0: {  	s12 =	sadd.s32 $0xFFFFFF40, s6  }
0xf1: {  	_ =	swait.ge [sflag:s25], $0x2000;
	s14 =	sadd.s32 $0xFFFFFFD0, s7;
	s12 =	sand.u32 $0x7E00, s12  }
0xf2: {  	[sflag:s25] =	ssyncset.done $0x0;
	s14 =	sand.u32 $0x40, s14;
	s12 =	sshrl.u32 s12, $0x2  }
0xf3: {  	[sflag:s25] =	ssyncadd.s32 $0xFFFFE000;
	s12 =	sor.u32 s14, s12  }
0xf4: {  	v3 =	vld [tilespmem:s12+$0x0];
	_ =	sdelay $0x4  }
0xf5: {  	v4 =	vshll.u32 v3, $0x2  }
0xf6: {  	v3 =	vand.u32 $0x7, v3;
	v4 =	vand.u32 $0xFFFFFFE0, v4  }
0xf7: {  	v3 =	vor.u32 v3, v4  }
0xf8: {  	v4 =	vperm.xlane v3, v0;
	_ =	sdelay $0x1  }
0xf9: {  	v4 =	vadd.s32 v1, v4;
	_ =	sdelay $0x1  }
0xfa: {  	v3 =	vperm.xlane v3, v2;
	_ =	sdelay $0x1  }
0xfb: {  	v3 =	vadd.s32 v1, v3  }
0xfc: {  	[tilespmem:s0], [sflag:$0x1] =	stream.indirect_vreg.gather [hbm4b:s2+s4], $0x80, v4, vm0, $0xb8;
	[tilespmem:$0x18A00] =	vst v63  }
0xfd: {  	_ = 	snop  }
0xfe: {  	[tilespmem:s16], [sflag:$0x1] =	stream.indirect_vreg.gather [hbm4b:s29+s4], $0x80, v4, vm0, $0xb8;
	[tilespmem:$0x18A00] =	vst v63  }
0xff: {  	s14 =	simm.s32 $0x1A00  }
0x100: {  	[tilespmem:s14], [sflag:$0x1] =	stream.indirect_vreg.gather [hbm4b:s2+s4], $0x80, v3, vm0, $0xb8;
	[tilespmem:$0x18A00] =	vst v63  }
0x101: {  	s15 =	simm.s32 $0x2200;
	s14 =	sadd.s32 $0xFFFFFF80, s6  }
0x102: {  	[tilespmem:s15], [sflag:$0x1] =	stream.indirect_vreg.gather [hbm4b:s29+s4], $0x80, v3, vm0, $0xb8;
	[tilespmem:$0x18A00] =	vst v63  }
0x103: {  	s12 =	sand.u32 $0x7E00, s14;
	s15 =	sadd.s32 $0xFFFFFFE0, s7;
	_ =	swait.ge [sflag:s26], $0x2000  }
0x104: {  	s12 =	sshrl.u32 s12, $0x2;
	s14 =	sand.u32 $0x50, s15;
	[sflag:s26] =	ssyncset.done $0x0  }
0x105: {  	s12 =	sor.u32 s14, s12;
	[sflag:s26] =	ssyncadd.s32 $0xFFFFE000  }
0x106: {  	v3 =	vld [tilespmem:s12+$0x0];
	_ =	sdelay $0x4  }
0x107: {  	v61 =	vshll.u32 v3, $0x2  }
0x108: {  	v3 =	vand.u32 $0x7, v3;
	v4 =	vand.u32 $0xFFFFFFE0, v61  }
0x109: {  	v3 =	vor.u32 v3, v4  }
0x10a: {  	v4 =	vperm.xlane v3, v0;
	_ =	sdelay $0x1  }
0x10b: {  	v4 =	vadd.s32 v1, v4;
	_ =	sdelay $0x1  }
0x10c: {  	v3 =	vperm.xlane v3, v2;
	_ =	sdelay $0x1  }
0x10d: {  	v3 =	vadd.s32 v1, v3  }
0x10e: {  	[tilespmem:s9], [sflag:$0x2] =	stream.indirect_vreg.gather [hbm4b:s2+s4], $0x80, v4, vm0, $0xb8;
	[tilespmem:$0x18A00] =	vst v63  }
0x10f: {  	s15 =	simm.s32 $0x3200  }
0x110: {  	[tilespmem:s15], [sflag:$0x2] =	stream.indirect_vreg.gather [hbm4b:s29+s4], $0x80, v4, vm0, $0xb8;
	[tilespmem:$0x18A00] =	vst v63  }
0x111: {  	s14 =	simm.s32 $0x3A00  }
0x112: {  	[tilespmem:s14], [sflag:$0x2] =	stream.indirect_vreg.gather [hbm4b:s2+s4], $0x80, v3, vm0, $0xb8;
	[tilespmem:$0x18A00] =	vst v63  }
0x113: {  	s15 =	simm.s32 $0x4200;
	s14 =	sadd.s32 $0xFFFFFFC0, s6  }
0x114: {  	[tilespmem:s15], [sflag:$0x2] =	stream.indirect_vreg.gather [hbm4b:s29+s4], $0x80, v3, vm0, $0xb8;
	[tilespmem:$0x18A00] =	vst v63  }
0x115: {  	s12 =	sand.u32 $0x7E00, s14;
	s15 =	sadd.s32 $0xFFFFFFF0, s7;
	_ =	swait.ge [sflag:s28], $0x2000  }
0x116: {  	s12 =	sshrl.u32 s12, $0x2;
	s14 =	sand.u32 $0x60, s15;
	[sflag:s28] =	ssyncset.done $0x0  }
0x117: {  	s12 =	sor.u32 s14, s12;
	[sflag:s28] =	ssyncadd.s32 $0xFFFFE000  }
0x118: {  	v3 =	vld [tilespmem:s12+$0x0];
	_ =	sdelay $0x4  }
0x119: {  	v62 =	vshll.u32 v3, $0x2  }
0x11a: {  	v3 =	vand.u32 $0x7, v3;
	v4 =	vand.u32 $0xFFFFFFE0, v62  }
0x11b: {  	v3 =	vor.u32 v3, v4  }
0x11c: {  	v4 =	vperm.xlane v3, v0;
	_ =	sdelay $0x1  }
0x11d: {  	v4 =	vadd.s32 v1, v4;
	_ =	sdelay $0x1  }
0x11e: {  	v3 =	vperm.xlane v3, v2;
	_ =	sdelay $0x1  }
0x11f: {  	v3 =	vadd.s32 v1, v3  }
0x120: {  	[tilespmem:s13], [sflag:$0x3] =	stream.indirect_vreg.gather [hbm4b:s2+s4], $0x80, v4, vm0, $0xb8;
	[tilespmem:$0x18A00] =	vst v63  }
0x121: {  	s15 =	simm.s32 $0x5200  }
0x122: {  	[tilespmem:s15], [sflag:$0x3] =	stream.indirect_vreg.gather [hbm4b:s29+s4], $0x80, v4, vm0, $0xb8;
	[tilespmem:$0x18A00] =	vst v63  }
0x123: {  	s14 =	simm.s32 $0x5A00  }
0x124: {  	[tilespmem:s14], [sflag:$0x3] =	stream.indirect_vreg.gather [hbm4b:s2+s4], $0x80, v3, vm0, $0xb8;
	[tilespmem:$0x18A00] =	vst v63  }
0x125: {  	s15 =	simm.s32 $0x6200  }
0x126: {  	[tilespmem:s15], [sflag:$0x3] =	stream.indirect_vreg.gather [hbm4b:s29+s4], $0x80, v3, vm0, $0xb8;
	[tilespmem:$0x18A00] =	vst v63  }
0x127: {  	s14 =	sand.u32 $0x7E00, s6;
	_ =	swait.ge [sflag:s31], $0x2000  }
0x128: {  	s12 =	sshrl.u32 s14, $0x2;
	s15 =	sand.u32 $0x70, s7;
	[sflag:s31] =	ssyncset.done $0x0  }
0x129: {  	s12 =	sor.u32 s15, s12;
	[sflag:s31] =	ssyncadd.s32 $0xFFFFE000  }
0x12a: {  	v3 =	vld [tilespmem:s12+$0x0];
	_ =	sdelay $0x4  }
0x12b: {  	v63 =	vshll.u32 v3, $0x2  }
0x12c: {  	v3 =	vand.u32 $0x7, v3;
	v4 =	vand.u32 $0xFFFFFFE0, v63  }
0x12d: {  	v3 =	vor.u32 v3, v4  }
0x12e: {  	v4 =	vperm.xlane v3, v0;
	_ =	sdelay $0x1  }
0x12f: {  	v4 =	vadd.s32 v1, v4;
	_ =	sdelay $0x2  }
0x130: {  	v3 =	vperm.xlane v3, v2  }
0x131: {  	s10 =	sadd.s32 $0x38, s10  }
0x132: {  	v3 =	vadd.s32 v1, v3;
	[tilespmem:s17], [sflag:$0x4] =	stream.indirect_vreg.gather [hbm4b:s2+s4], $0x80, v4, vm0, $0xb8;
	[tilespmem:$0x18A00] =	vst v63  }
0x133: {  	p0 =	sne.s32 s10, $0x8C0  }
0x134: {  	[tilespmem:s18], [sflag:$0x4] =	stream.indirect_vreg.gather [hbm4b:s29+s4], $0x80, v4, vm0, $0xb8;
	[tilespmem:$0x18A00] =	vst v63  }
.Ltmp1:
0x135: {  	_ = 	snop;
	(pc) =	sbr.rel @!p0 .LBB2_6-.Ltmp1, $4  }
0x136: {  	s11 =	sadd.s32 $0x1, s11  }
0x137: {  	[tilespmem:s19], [sflag:$0x4] =	stream.indirect_vreg.gather [hbm4b:s2+s4], $0x80, v3, vm0, $0xb8;
	[tilespmem:$0x18A00] =	vst v63  }
0x138: {  	s8 =	sadd.s32 $0x7, s8;
	s6 =	sadd.s32 $0x100, s6;
	s7 =	sadd.s32 $0x40, s7  }
0x139: {  	[tilespmem:s20], [sflag:$0x4] =	stream.indirect_vreg.gather [hbm4b:s29+s4], $0x80, v3, vm0, $0xb8;
	[tilespmem:$0x18A00] =	vst v63  }
.LBB2_2:
0x13a: {  	s12 =	sadd.s32 $0xFFFFFF90, s7  }
0x13b: {  	s14 =	sshrl.u32 s11, $0x1;
	s12 =	sand.u32 $0x40, s12  }
0x13c: {  	_ =	swait.ge [sflag:s21], $0x2000;
	s15 =	sshll.u32 s14, $0x12;
	s12 =	sor.u32 s5, s12  }
0x13d: {  	p0 =	seq.s32 s14, $0x0;
	s14 =	sadd.s32 $0x400000, s15;
	s12 =	sshll.u32 s12, $0x6  }
0x13e: {  	[sflag:s21] =	ssyncset.done $0x0;
	s14 =	simm.s32 @p0 $0x0;
	s15 =	sadd.s32 s3, s12  }
0x13f: {  	[sflag:s21] =	ssyncadd.s32 $0xFFFFE000;
	s15 =	sadd.s32 s14, s15  }
0x140: {  	[hbm4b:s15+s4] =	stream.linear.scatter [tilespmem:s0], [sflag:$0x5], $0x2000, $0x38;
	[tilespmem:$0x18A00] =	vst v63  }
0x141: {  	s14 =	sadd.s32 s3, s14;
	_ =	swait.ge [sflag:s22], $0x2000  }
0x142: {  	s12 =	sadd.s32 s12, s14;
	[sflag:s22] =	ssyncset.done $0x0  }
0x143: {  	s14 =	sadd.s32 $0x400, s12;
	[sflag:s22] =	ssyncadd.s32 $0xFFFFE000  }
0x144: {  	[hbm4b:s14+s4] =	stream.linear.scatter [tilespmem:s9], [sflag:$0x6], $0x2000, $0x38;
	[tilespmem:$0x18A00] =	vst v63  }
0x145: {  	_ =	swait.ge [sflag:s23], $0x2000  }
0x146: {  	[sflag:s23] =	ssyncset.done $0x0  }
0x147: {  	p0 =	sgt.u32 s11, $0x24;
	s15 =	sadd.s32 $0x800, s12;
	[sflag:s23] =	ssyncadd.s32 $0xFFFFE000  }
0x148: {  	[hbm4b:s15+s4] =	stream.linear.scatter [tilespmem:s13], [sflag:$0x7], $0x2000, $0x38;
	[tilespmem:$0x18A00] =	vst v63  }
.Ltmp2:
0x149: {  	_ = 	snop;
	(pc) =	sbr.rel @!p0 .LBB2_3-.Ltmp2, $4  }
0x14a: {  	_ =	swait.ge [sflag:s24], $0x2000  }
0x14b: {  	[sflag:s24] =	ssyncset.done $0x0  }
0x14c: {  	s12 =	sadd.s32 $0xC00, s12;
	[sflag:s24] =	ssyncadd.s32 $0xFFFFE000  }
0x14d: {  	[hbm4b:s12+s4] =	stream.linear.scatter [tilespmem:s17], [sflag:$0x8], $0x2000, $0x38;
	[tilespmem:$0x18A00] =	vst v63  }
0x14e: {  	p0 =	seq.s32 s10, $0x888  }
.Ltmp3:
0x14f: {  	_ = 	snop;
	(pc) =	sbr.rel @!p0 .LBB2_5-.Ltmp3, $1  }
0x150: {  	_ =	sdelay $0x3  }
.LBB2_6:
0x151: {  	_ =	swait.ge [sflag:s25], $0x2000  }
0x152: {  	[sflag:s25] =	ssyncset.done $0x0  }
0x153: {  	[sflag:s25] =	ssyncadd.s32 $0xFFFFE000  }
0x154: {  	_ =	swait.ge [sflag:s26], $0x2000  }
0x155: {  	[sflag:s26] =	ssyncset.done $0x0  }
0x156: {  	[sflag:s26] =	ssyncadd.s32 $0xFFFFE000  }
0x157: {  	_ =	swait.ge [sflag:s28], $0x2000  }
0x158: {  	[sflag:s28] =	ssyncset.done $0x0  }
0x159: {  	[sflag:s28] =	ssyncadd.s32 $0xFFFFE000  }
0x15a: {  	_ =	swait.ge [sflag:s31], $0x2000  }
0x15b: {  	[sflag:s31] =	ssyncset.done $0x0  }
0x15c: {  	[sflag:s31] =	ssyncadd.s32 $0xFFFFE000  }
0x15d: {  	_ =	swait.ge [sflag:s1], $0x1000  }
0x15e: {  	s6 =	simm.s32 $0xFF;
	[sflag:s1] =	ssyncset.done $0x0  }
.LBB2_7:
0x15f: {  	p0 =	sne.s32 s6, $0x1;
	s6 =	sadd.s32 $0xFFFFFFFF, s6;
	[sflag:s1] =	ssyncadd.s32 $0xFFFFF000  }
.Ltmp4:
0x160: {  	(pc) =	sbr.rel @p0 .LBB2_7-.Ltmp4, $3  }
0x161: {  	_ =	sdelay $0x1  }
0x162: {  	_ =	swait.ge [sflag:s1], $0x1000  }
0x163: {  	[sflag:s1] =	ssyncset.done $0x0  }
0x164: {  	s7 =	rddreg [dreg:$0x1a]  }
0x165: {  	s6 =	rddreg [dreg:$0x19];
	s7 =	sadd.s32 $0x1, s7  }
0x166: {  	p0 =	sne.s32 s7, s6  }
.Ltmp5:
0x167: {  	_ = 	snop;
	(pc) =	sbr.rel @p0 .LBB2_1-.Ltmp5, $2  }
0x168: {  	_ =	sdelay $0x2  }
0x169: {  	[sflag:s1] =	ssyncadd.s32 $0xFFFFF000  }
0x16a: {  	_ =	sfence.sel $0x180000  }
0x16b: {  	[bflag:$0x0] =	sbarrier.arrive $0xFFFF  }
0x16c: {  	_ =	strace $0x90000047  }
0x16d: {  	s0 =	stileid.u32;
	[bflag:$0x2] =	sbarrier.arrive $0xFFFF  }
0x16e: {  	p0 =	sne.s32 s0, $0x0;
	s0 =	rddreg [dreg:$0x3]  }
0x16f: {  	s0 =	sadd.s32 @!p0 $0x100000, s0  }
0x170: {  	[sflag:s0] =	ssyncadd.tile.s32 @!p0 $0x1;
	_ =	shalt  }
.Lfunc_end2:
_tile_overlayer_lowered:
.L_overlay_start_2:
0x171: {  	(tag) =	ssettag $0x2  }
0x172: {  	s0 =	rddreg [dreg:$0x0];
	s2 =	stileid.u32  }
0x173: {  	s1 =	rddreg [dreg:$0x1];
	p0 =	sne.s32 s2, $0x0  }
0x174: {  	s3 =	rddreg [dreg:$0x2];
	[bflag:$0x3] =	sbarrier.arrive $0xFFFF;
	s2 =	simm.s32 @!p0 $0x1C0A  }
0x175: {  	[timem:s3], [sflag:s2] =	dma.local @!p0 [hbm:s0], s1  }
0x176: {  	s0 =	simm.s32 @!p0 $0xA  }
0x177: {  	_ =	swait.ge @!p0 [sflag:s0], s1  }
0x178: {  	s1 =	ssub.s32 @!p0 $0x0, s1;
	[sflag:s0] =	ssyncset.done @!p0 $0x0  }
0x179: {  	[sflag:s0] =	ssyncadd.s32 @!p0 s1  }
0x17a: {  	[bflag:$0x3] =	sbarrier.arrive $0xFFFF  }
0x17b: {  	_ =	shalt  }

</sc_bundles>
